<compile_context>
chip_gen: v7x
topology: tpu7x:2x2x1
jax: 0.10.2.dev20260603
libtpu: 0.0.44.dev20260713+nightly
codegen_flags: <defaults>
</compile_context>

<pallas_src>
import functools

import jax
import jax.numpy as jnp
from jax import lax
from jax.experimental import pallas as pl
from jax.experimental.pallas import tpu as pltpu
from jax.experimental.pallas import tpu_sc as plsc

_B, _C, _H, _W = 8, 17, 512, 512
_ROWS = 256
_SUB = 8
_GRID = (_B, _H // _ROWS)
_NBLK = _GRID[0] * _GRID[1]
_NPIX = float(_B * _H * _W)

_NW = 32
_TROWS = _B * _H // _NW
_CHUNK = 32
_BANK = 32
_NTAB = 8


def _tc_body(x_ref, t_ref, sumT_ref, inter_ref, accD_ref, accI_ref):
    b = pl.program_id(0)
    i = pl.program_id(1)
    pid = b * _GRID[1] + i

    @pl.when(pid == 0)
    def _init():
        accD_ref[...] = jnp.zeros_like(accD_ref)
        accI_ref[...] = jnp.zeros_like(accI_ref)

    cls = jax.lax.broadcasted_iota(jnp.int32, (_C, _SUB, _W), 0)
    for k in range(_ROWS // _SUB):
        xk = x_ref[0, :, pl.ds(k * _SUB, _SUB), :]
        tk = t_ref[0, pl.ds(k * _SUB, _SUB), :]
        Tk = jnp.tanh(0.5 * xk)
        mf2 = jnp.where(cls == tk[None], 2.0, 0.0)
        accD_ref[...] += Tk
        accI_ref[...] += jnp.sum(Tk * mf2, axis=0)

    @pl.when(pid == _NBLK - 1)
    def _finish():
        sumT_ref[...] = jnp.sum(accD_ref[...], axis=1).sum(axis=1)[None, :]
        inter_ref[0, 0] = 0.25 * jnp.sum(accI_ref[...]) + (0.5 * _NPIX)


_SC_MESH = plsc.VectorSubcoreMesh(core_axis_name="c", subcore_axis_name="s")


@functools.partial(
    pl.kernel,
    mesh=_SC_MESH,
    out_type=jax.ShapeDtypeStruct((_NW, _NTAB * 16 * _BANK), jnp.float32),
    scratch_types=[
        pltpu.VMEM((_CHUNK, _W), jnp.int32),
        pltpu.VMEM((_NTAB * 16 * _BANK,), jnp.float32),
    ],
    compiler_params=pltpu.CompilerParams(needs_layout_passes=False),
)
def _sc_histogram(t_hbm, out_hbm, t_v, tab_v):
    wid = lax.axis_index("s") * 2 + lax.axis_index("c")
    base = wid * _TROWS
    lane_base = lax.iota(jnp.int32, 16) * _BANK
    ones = jnp.ones((16,), jnp.float32)

    @pl.loop(0, _NTAB * _BANK)
    def _zero(j):
        tab_v[pl.ds(j * 16, 16)] = jnp.zeros((16,), jnp.float32)

    @pl.loop(0, _TROWS // _CHUNK)
    def _chunk(chunk):
        pltpu.sync_copy(
            t_hbm.at[pl.ds(base + chunk * _CHUNK, _CHUNK)], t_v)

        @pl.loop(0, _CHUNK)
        def _row(r):
            @pl.loop(0, _W // 16, unroll=_NTAB)
            def _col(j):
                lab = t_v[r, pl.ds(j * 16, 16)]
                tab_off = (j % _NTAB) * (16 * _BANK)
                plsc.addupdate_scatter(
                    tab_v, [tab_off + lane_base + lab], ones)

    pltpu.sync_copy(tab_v, out_hbm.at[wid])


def kernel(input, target, smooth):
    target2d = target.reshape(_B * _H, _W)
    table = _sc_histogram(target2d)
    sumT, inter = pl.pallas_call(
        _tc_body,
        grid=_GRID,
        in_specs=[
            pl.BlockSpec((1, _C, _ROWS, _W), lambda b, i: (b, 0, i, 0)),
            pl.BlockSpec((1, _ROWS, _W), lambda b, i: (b, i, 0)),
        ],
        out_specs=[
            pl.BlockSpec((1, _C), lambda b, i: (0, 0)),
            pl.BlockSpec(memory_space=pltpu.SMEM),
        ],
        out_shape=[
            jax.ShapeDtypeStruct((1, _C), jnp.float32),
            jax.ShapeDtypeStruct((1, 1), jnp.float32),
        ],
        scratch_shapes=[
            pltpu.VMEM((_C, _SUB, _W), jnp.float32),
            pltpu.VMEM((_SUB, _W), jnp.float32),
        ],
    )(input, target)
    counts = table.reshape(_NW * _NTAB * 16, _BANK).sum(axis=0)[:_C]
    denom = 0.5 * sumT[0] + (0.5 * _NPIX) + counts
    smooth = smooth.astype(jnp.float32)
    return -(2.0 * inter[0, 0] + jnp.sum(smooth / (denom + smooth)))

# --- scband reference (transcript-rebuilt; emitter-appended) ---
"""Pipeline reference for scband-non-binary-dice-loss-64098091926001 (READ-ONLY COPY).

The authoritative reference and input builder live on the scoring server;
editing this copy changes nothing except your own understanding.
"""

import jax, jax.numpy as jnp
import numpy as np


def setup_inputs(seed: int = 0) -> dict:
    key = jax.random.key(seed)
    k1, k2 = jax.random.split(key)
    inp = jax.random.normal(k1, (8, 17, 512, 512), dtype=jnp.float32)
    target = jax.random.randint(k2, (8, 512, 512), 0, 17, dtype=jnp.int32)
    return {"input": inp, "target": target, "smooth": jnp.float32(1.0)}


def reference(input, target, smooth=1.0):
    num_classes = 17
    x = jax.nn.sigmoid(input)
    B, C = x.shape[0], x.shape[1]
    x = x.reshape(B, C, -1)
    x = jnp.transpose(x, (0, 2, 1))
    x = x.reshape(-1, C)
    t = target.reshape(-1)
    # torch.zeros(N, 17).scatter_(1, target, 1) == one-hot encoding
    t1h = jax.nn.one_hot(t, num_classes, dtype=x.dtype)
    intersection = jnp.sum(x * t1h, axis=0)
    denominator = jnp.sum(x, axis=0) + jnp.sum(t1h, axis=0)
    # Faithful to the original (note: smooth is divided, matching torch code exactly)
    return -1.0 * jnp.sum(2.0 * intersection + smooth / (denominator + smooth))

if __name__ == "__main__":
    import jax
    _d = setup_inputs()
    print(jax.jit(kernel)(*tuple(_d.values())))

</pallas_src>

<mosaic_0001>
#map = affine_map<(d0, d1) -> (0, 0)>
module attributes {stable_mosaic.version = 14 : i64} {
  func.func @_sc_histogram(%arg0: i32, %arg1: i32, %arg2: memref<4096x512xi32, #tpu.memory_space<hbm>>, %arg3: memref<32x4096xf32, #tpu.memory_space<hbm>>, %arg4: memref<32x512xi32, #tpu.memory_space<vmem>>, %arg5: memref<4096xf32, #tpu.memory_space<vmem>>) attributes {dimension_semantics = [#tpu.dimension_semantics<core_parallel>, #tpu.dimension_semantics<subcore_parallel>], iteration_bounds = array<i64: 2, 16>, scalar_prefetch = 0 : i64, scratch_operands = 2 : i64, tpu.core_type = #tpu.core_type<sc_vector_subcore>, window_params = [{transform_indices = #map}, {transform_indices = #map}]} {
    %mul3A = arith.constant 2 : i32
    %mul3A_0 = arith.muli %arg1, %mul3A : i32
    %add3A = arith.addi %mul3A_0, %arg0 : i32
    %mul3A_1 = arith.constant 128 : i32
    %mul3A_2 = arith.muli %add3A, %mul3A_1 : i32
    %iota3A = tpu.iota {dimensions = array<i32: 0>} : vector<16xi32>
    %mul3A_3 = arith.constant 32 : i32
    %mul3A_4 = vector.broadcast %mul3A_3 : i32 to vector<16xi32>
    %mul3A_5 = arith.muli %iota3A, %mul3A_4 : vector<16xi32>
    %broadcast_in_dim3A = arith.constant 1.000000e+00 : f32
    %broadcast_in_dim3A_6 = vector.broadcast %broadcast_in_dim3A : f32 to vector<16xf32>
    %scan3A = arith.constant 0 : i32
    %scan3A_7 = arith.constant 256 : i32
    %scan3A_8 = arith.addi %scan3A, %scan3A_7 : i32
    %scan3A_9 = arith.constant 1 : i32
    scf.for %scan3A_16 = %scan3A to %scan3A_8 step %scan3A_9  : i32 {
      %mul3A_17 = arith.constant 1 : i32
      %mul3A_18 = arith.muli %scan3A_16, %mul3A_17 : i32
      %add3A_19 = arith.constant 0 : i32
      %add3A_20 = arith.addi %add3A_19, %mul3A_18 : i32
      %broadcast_in_dim3A_21 = arith.constant 0.000000e+00 : f32
      %broadcast_in_dim3A_22 = vector.broadcast %broadcast_in_dim3A_21 : f32 to vector<16xf32>
      %mul3A_23 = arith.constant 16 : i32
      %mul3A_24 = arith.muli %add3A_20, %mul3A_23 : i32
      %swap3A = arith.index_cast %mul3A_24 : i32 to index
      %swap3A_25 = tpu.vector_load %arg5[%swap3A] {strides = array<i32>} : memref<4096xf32, #tpu.memory_space<vmem>>, vector<16xf32>,
      tpu.vector_store %arg5[%swap3A], %broadcast_in_dim3A_22 {strides = array<i32>} : memref<4096xf32, #tpu.memory_space<vmem>>, vector<16xf32>,
    }
    %scan3A_10 = arith.constant 256 : i32
    %scan3A_11 = arith.constant 0 : i32
    %scan3A_12 = arith.constant 4 : i32
    %scan3A_13 = arith.addi %scan3A_11, %scan3A_12 : i32
    %scan3A_14 = arith.constant 1 : i32
    scf.for %scan3A_16 = %scan3A_11 to %scan3A_13 step %scan3A_14  : i32 {
      %mul3A_17 = arith.constant 1 : i32
      %mul3A_18 = arith.muli %scan3A_16, %mul3A_17 : i32
      %add3A_19 = arith.constant 0 : i32
      %add3A_20 = arith.addi %add3A_19, %mul3A_18 : i32
      %mul3A_21 = arith.constant 32 : i32
      %mul3A_22 = arith.muli %add3A_20, %mul3A_21 : i32
      %add3A_23 = arith.addi %mul3A_2, %mul3A_22 : i32
      "tpu.region"() ({
        %run_scoped3A = tpu.sem_alloc : memref<!tpu.dma_semaphore, #tpu.memory_space<semaphore_mem>>
        %dma_start3A = arith.constant 0 : i32
        %dma_start3A_29 = tpu.memref_slice %arg2[%add3A_23, %dma_start3A] : memref<4096x512xi32, #tpu.memory_space<hbm>> -> memref<32x512xi32, #tpu.memory_space<hbm>>
        %dma_start3A_30 = arith.constant 0 : i32
        %dma_start3A_31 = tpu.memref_slice %arg2[%add3A_23, %dma_start3A_30] : memref<4096x512xi32, #tpu.memory_space<hbm>> -> memref<32x512xi32, #tpu.memory_space<hbm>>
        tpu.enqueue_dma source(%dma_start3A_31 : memref<32x512xi32, #tpu.memory_space<hbm>>) target(%arg4 : memref<32x512xi32, #tpu.memory_space<vmem>>) target_semaphore(%run_scoped3A : memref<!tpu.dma_semaphore, #tpu.memory_space<semaphore_mem>>)
        %dma_wait3A = arith.constant 0 : i32
        %dma_wait3A_32 = tpu.memref_slice %arg2[%add3A_23, %dma_wait3A] : memref<4096x512xi32, #tpu.memory_space<hbm>> -> memref<32x512xi32, #tpu.memory_space<hbm>>
        %dma_wait3A_33 = arith.constant 0 : i32
        %dma_wait3A_34 = tpu.memref_slice %arg2[%add3A_23, %dma_wait3A_33] : memref<4096x512xi32, #tpu.memory_space<hbm>> -> memref<32x512xi32, #tpu.memory_space<hbm>>
        tpu.wait_dma2 semaphore(%run_scoped3A : memref<!tpu.dma_semaphore, #tpu.memory_space<semaphore_mem>>) src(%dma_wait3A_34 : memref<32x512xi32, #tpu.memory_space<hbm>>) dst(%arg4 : memref<32x512xi32, #tpu.memory_space<vmem>>)
        tpu.yield
      }) : () -> ()
      %scan3A_24 = arith.constant 0 : i32
      %scan3A_25 = arith.constant 32 : i32
      %scan3A_26 = arith.addi %scan3A_24, %scan3A_25 : i32
      %scan3A_27 = arith.constant 1 : i32
      scf.for %scan3A_29 = %scan3A_24 to %scan3A_26 step %scan3A_27  : i32 {
        %mul3A_30 = arith.constant 1 : i32
        %mul3A_31 = arith.muli %scan3A_29, %mul3A_30 : i32
        %add3A_32 = arith.constant 0 : i32
        %add3A_33 = arith.addi %add3A_32, %mul3A_31 : i32
        %scan3A_34 = arith.constant 0 : i32
        %scan3A_35 = arith.constant 32 : i32
        %scan3A_36 = arith.addi %scan3A_34, %scan3A_35 : i32
        %scan3A_37 = arith.constant 8 : i32
        scf.for %scan3A_39 = %scan3A_34 to %scan3A_36 step %scan3A_37  : i32 {
          %mul3A_40 = arith.constant 1 : i32
          %mul3A_41 = arith.muli %scan3A_39, %mul3A_40 : i32
          %add3A_42 = arith.constant 0 : i32
          %add3A_43 = arith.addi %add3A_42, %mul3A_41 : i32
          %mul3A_44 = arith.constant 16 : i32
          %mul3A_45 = arith.muli %add3A_43, %mul3A_44 : i32
          %get3A = arith.index_cast %add3A_33 : i32 to index
          %get3A_46 = arith.index_cast %mul3A_45 : i32 to index
          %get3A_47 = tpu.vector_load %arg4[%get3A, %get3A_46] {strides = array<i32>} : memref<32x512xi32, #tpu.memory_space<vmem>>, vector<16xi32>,
          %jit3A = arith.constant 8 : i32
          %eq3A = arith.constant 0 : i32
          %eq3A_48 = arith.cmpi eq, %jit3A, %eq3A : i32
          %jit3A_49 = arith.constant 1 : i32
          %select_n3A = arith.select %eq3A_48, %jit3A_49, %jit3A : i32
          %rem3A = arith.remsi %add3A_43, %select_n3A : i32
          %ne3A = arith.constant 0 : i32
          %ne3A_50 = arith.cmpi ne, %rem3A, %ne3A : i32
          %lt3A = arith.constant 0 : i32
          %lt3A_51 = arith.cmpi slt, %rem3A, %lt3A : i32
          %lt3A_52 = arith.constant 0 : i32
          %lt3A_53 = arith.cmpi slt, %select_n3A, %lt3A_52 : i32
          %ne3A_54 = arith.xori %lt3A_51, %lt3A_53 : i1
          %and3A = arith.andi %ne3A_54, %ne3A_50 : i1
          %add3A_55 = arith.addi %rem3A, %select_n3A : i32
          %select_n3A_56 = arith.select %and3A, %add3A_55, %rem3A : i32
          %mul3A_57 = arith.constant 512 : i32
          %mul3A_58 = arith.muli %select_n3A_56, %mul3A_57 : i32
          %add3A_59 = vector.broadcast %mul3A_58 : i32 to vector<16xi32>
          %add3A_60 = arith.addi %add3A_59, %mul3A_5 : vector<16xi32>
          %add3A_61 = arith.addi %add3A_60, %get3A_47 : vector<16xi32>
          tpu.vector_store_idx %arg5[%add3A_61], %broadcast_in_dim3A_6 {add = true} : memref<4096xf32, #tpu.memory_space<vmem>>[vector<16xi32>], vector<16xf32>,
          %scan3A_62 = arith.constant 1 : i32
          %scan3A_63 = arith.addi %scan3A_39, %scan3A_62 : i32
          %mul3A_64 = arith.constant 1 : i32
          %mul3A_65 = arith.muli %scan3A_63, %mul3A_64 : i32
          %add3A_66 = arith.constant 0 : i32
          %add3A_67 = arith.addi %add3A_66, %mul3A_65 : i32
          %mul3A_68 = arith.constant 16 : i32
          %mul3A_69 = arith.muli %add3A_67, %mul3A_68 : i32
          %get3A_70 = arith.index_cast %add3A_33 : i32 to index
          %get3A_71 = arith.index_cast %mul3A_69 : i32 to index
          %get3A_72 = tpu.vector_load %arg4[%get3A_70, %get3A_71] {strides = array<i32>} : memref<32x512xi32, #tpu.memory_space<vmem>>, vector<16xi32>,
          %jit3A_73 = arith.constant 8 : i32
          %eq3A_74 = arith.constant 0 : i32
          %eq3A_75 = arith.cmpi eq, %jit3A_73, %eq3A_74 : i32
          %jit3A_76 = arith.constant 1 : i32
          %select_n3A_77 = arith.select %eq3A_75, %jit3A_76, %jit3A_73 : i32
          %rem3A_78 = arith.remsi %add3A_67, %select_n3A_77 : i32
          %ne3A_79 = arith.constant 0 : i32
          %ne3A_80 = arith.cmpi ne, %rem3A_78, %ne3A_79 : i32
          %lt3A_81 = arith.constant 0 : i32
          %lt3A_82 = arith.cmpi slt, %rem3A_78, %lt3A_81 : i32
          %lt3A_83 = arith.constant 0 : i32
          %lt3A_84 = arith.cmpi slt, %select_n3A_77, %lt3A_83 : i32
          %ne3A_85 = arith.xori %lt3A_82, %lt3A_84 : i1
          %and3A_86 = arith.andi %ne3A_85, %ne3A_80 : i1
          %add3A_87 = arith.addi %rem3A_78, %select_n3A_77 : i32
          %select_n3A_88 = arith.select %and3A_86, %add3A_87, %rem3A_78 : i32
          %mul3A_89 = arith.constant 512 : i32
          %mul3A_90 = arith.muli %select_n3A_88, %mul3A_89 : i32
          %add3A_91 = vector.broadcast %mul3A_90 : i32 to vector<16xi32>
          %add3A_92 = arith.addi %add3A_91, %mul3A_5 : vector<16xi32>
          %add3A_93 = arith.addi %add3A_92, %get3A_72 : vector<16xi32>
          tpu.vector_store_idx %arg5[%add3A_93], %broadcast_in_dim3A_6 {add = true} : memref<4096xf32, #tpu.memory_space<vmem>>[vector<16xi32>], vector<16xf32>,
          %scan3A_94 = arith.constant 2 : i32
          %scan3A_95 = arith.addi %scan3A_39, %scan3A_94 : i32
          %mul3A_96 = arith.constant 1 : i32
          %mul3A_97 = arith.muli %scan3A_95, %mul3A_96 : i32
          %add3A_98 = arith.constant 0 : i32
          %add3A_99 = arith.addi %add3A_98, %mul3A_97 : i32
          %mul3A_100 = arith.constant 16 : i32
          %mul3A_101 = arith.muli %add3A_99, %mul3A_100 : i32
          %get3A_102 = arith.index_cast %add3A_33 : i32 to index
          %get3A_103 = arith.index_cast %mul3A_101 : i32 to index
          %get3A_104 = tpu.vector_load %arg4[%get3A_102, %get3A_103] {strides = array<i32>} : memref<32x512xi32, #tpu.memory_space<vmem>>, vector<16xi32>,
          %jit3A_105 = arith.constant 8 : i32
          %eq3A_106 = arith.constant 0 : i32
          %eq3A_107 = arith.cmpi eq, %jit3A_105, %eq3A_106 : i32
          %jit3A_108 = arith.constant 1 : i32
          %select_n3A_109 = arith.select %eq3A_107, %jit3A_108, %jit3A_105 : i32
          %rem3A_110 = arith.remsi %add3A_99, %select_n3A_109 : i32
          %ne3A_111 = arith.constant 0 : i32
          %ne3A_112 = arith.cmpi ne, %rem3A_110, %ne3A_111 : i32
          %lt3A_113 = arith.constant 0 : i32
          %lt3A_114 = arith.cmpi slt, %rem3A_110, %lt3A_113 : i32
          %lt3A_115 = arith.constant 0 : i32
          %lt3A_116 = arith.cmpi slt, %select_n3A_109, %lt3A_115 : i32
          %ne3A_117 = arith.xori %lt3A_114, %lt3A_116 : i1
          %and3A_118 = arith.andi %ne3A_117, %ne3A_112 : i1
          %add3A_119 = arith.addi %rem3A_110, %select_n3A_109 : i32
          %select_n3A_120 = arith.select %and3A_118, %add3A_119, %rem3A_110 : i32
          %mul3A_121 = arith.constant 512 : i32
          %mul3A_122 = arith.muli %select_n3A_120, %mul3A_121 : i32
          %add3A_123 = vector.broadcast %mul3A_122 : i32 to vector<16xi32>
          %add3A_124 = arith.addi %add3A_123, %mul3A_5 : vector<16xi32>
          %add3A_125 = arith.addi %add3A_124, %get3A_104 : vector<16xi32>
          tpu.vector_store_idx %arg5[%add3A_125], %broadcast_in_dim3A_6 {add = true} : memref<4096xf32, #tpu.memory_space<vmem>>[vector<16xi32>], vector<16xf32>,
          %scan3A_126 = arith.constant 3 : i32
          %scan3A_127 = arith.addi %scan3A_39, %scan3A_126 : i32
          %mul3A_128 = arith.constant 1 : i32
          %mul3A_129 = arith.muli %scan3A_127, %mul3A_128 : i32
          %add3A_130 = arith.constant 0 : i32
          %add3A_131 = arith.addi %add3A_130, %mul3A_129 : i32
          %mul3A_132 = arith.constant 16 : i32
          %mul3A_133 = arith.muli %add3A_131, %mul3A_132 : i32
          %get3A_134 = arith.index_cast %add3A_33 : i32 to index
          %get3A_135 = arith.index_cast %mul3A_133 : i32 to index
          %get3A_136 = tpu.vector_load %arg4[%get3A_134, %get3A_135] {strides = array<i32>} : memref<32x512xi32, #tpu.memory_space<vmem>>, vector<16xi32>,
          %jit3A_137 = arith.constant 8 : i32
          %eq3A_138 = arith.constant 0 : i32
          %eq3A_139 = arith.cmpi eq, %jit3A_137, %eq3A_138 : i32
          %jit3A_140 = arith.constant 1 : i32
          %select_n3A_141 = arith.select %eq3A_139, %jit3A_140, %jit3A_137 : i32
          %rem3A_142 = arith.remsi %add3A_131, %select_n3A_141 : i32
          %ne3A_143 = arith.constant 0 : i32
          %ne3A_144 = arith.cmpi ne, %rem3A_142, %ne3A_143 : i32
          %lt3A_145 = arith.constant 0 : i32
          %lt3A_146 = arith.cmpi slt, %rem3A_142, %lt3A_145 : i32
          %lt3A_147 = arith.constant 0 : i32
          %lt3A_148 = arith.cmpi slt, %select_n3A_141, %lt3A_147 : i32
          %ne3A_149 = arith.xori %lt3A_146, %lt3A_148 : i1
          %and3A_150 = arith.andi %ne3A_149, %ne3A_144 : i1
          %add3A_151 = arith.addi %rem3A_142, %select_n3A_141 : i32
          %select_n3A_152 = arith.select %and3A_150, %add3A_151, %rem3A_142 : i32
          %mul3A_153 = arith.constant 512 : i32
          %mul3A_154 = arith.muli %select_n3A_152, %mul3A_153 : i32
          %add3A_155 = vector.broadcast %mul3A_154 : i32 to vector<16xi32>
          %add3A_156 = arith.addi %add3A_155, %mul3A_5 : vector<16xi32>
          %add3A_157 = arith.addi %add3A_156, %get3A_136 : vector<16xi32>
          tpu.vector_store_idx %arg5[%add3A_157], %broadcast_in_dim3A_6 {add = true} : memref<4096xf32, #tpu.memory_space<vmem>>[vector<16xi32>], vector<16xf32>,
          %scan3A_158 = arith.constant 4 : i32
          %scan3A_159 = arith.addi %scan3A_39, %scan3A_158 : i32
          %mul3A_160 = arith.constant 1 : i32
          %mul3A_161 = arith.muli %scan3A_159, %mul3A_160 : i32
          %add3A_162 = arith.constant 0 : i32
          %add3A_163 = arith.addi %add3A_162, %mul3A_161 : i32
          %mul3A_164 = arith.constant 16 : i32
          %mul3A_165 = arith.muli %add3A_163, %mul3A_164 : i32
          %get3A_166 = arith.index_cast %add3A_33 : i32 to index
          %get3A_167 = arith.index_cast %mul3A_165 : i32 to index
          %get3A_168 = tpu.vector_load %arg4[%get3A_166, %get3A_167] {strides = array<i32>} : memref<32x512xi32, #tpu.memory_space<vmem>>, vector<16xi32>,
          %jit3A_169 = arith.constant 8 : i32
          %eq3A_170 = arith.constant 0 : i32
          %eq3A_171 = arith.cmpi eq, %jit3A_169, %eq3A_170 : i32
          %jit3A_172 = arith.constant 1 : i32
          %select_n3A_173 = arith.select %eq3A_171, %jit3A_172, %jit3A_169 : i32
          %rem3A_174 = arith.remsi %add3A_163, %select_n3A_173 : i32
          %ne3A_175 = arith.constant 0 : i32
          %ne3A_176 = arith.cmpi ne, %rem3A_174, %ne3A_175 : i32
          %lt3A_177 = arith.constant 0 : i32
          %lt3A_178 = arith.cmpi slt, %rem3A_174, %lt3A_177 : i32
          %lt3A_179 = arith.constant 0 : i32
          %lt3A_180 = arith.cmpi slt, %select_n3A_173, %lt3A_179 : i32
          %ne3A_181 = arith.xori %lt3A_178, %lt3A_180 : i1
          %and3A_182 = arith.andi %ne3A_181, %ne3A_176 : i1
          %add3A_183 = arith.addi %rem3A_174, %select_n3A_173 : i32
          %select_n3A_184 = arith.select %and3A_182, %add3A_183, %rem3A_174 : i32
          %mul3A_185 = arith.constant 512 : i32
          %mul3A_186 = arith.muli %select_n3A_184, %mul3A_185 : i32
          %add3A_187 = vector.broadcast %mul3A_186 : i32 to vector<16xi32>
          %add3A_188 = arith.addi %add3A_187, %mul3A_5 : vector<16xi32>
          %add3A_189 = arith.addi %add3A_188, %get3A_168 : vector<16xi32>
          tpu.vector_store_idx %arg5[%add3A_189], %broadcast_in_dim3A_6 {add = true} : memref<4096xf32, #tpu.memory_space<vmem>>[vector<16xi32>], vector<16xf32>,
          %scan3A_190 = arith.constant 5 : i32
          %scan3A_191 = arith.addi %scan3A_39, %scan3A_190 : i32
          %mul3A_192 = arith.constant 1 : i32
          %mul3A_193 = arith.muli %scan3A_191, %mul3A_192 : i32
          %add3A_194 = arith.constant 0 : i32
          %add3A_195 = arith.addi %add3A_194, %mul3A_193 : i32
          %mul3A_196 = arith.constant 16 : i32
          %mul3A_197 = arith.muli %add3A_195, %mul3A_196 : i32
          %get3A_198 = arith.index_cast %add3A_33 : i32 to index
          %get3A_199 = arith.index_cast %mul3A_197 : i32 to index
          %get3A_200 = tpu.vector_load %arg4[%get3A_198, %get3A_199] {strides = array<i32>} : memref<32x512xi32, #tpu.memory_space<vmem>>, vector<16xi32>,
          %jit3A_201 = arith.constant 8 : i32
          %eq3A_202 = arith.constant 0 : i32
          %eq3A_203 = arith.cmpi eq, %jit3A_201, %eq3A_202 : i32
          %jit3A_204 = arith.constant 1 : i32
          %select_n3A_205 = arith.select %eq3A_203, %jit3A_204, %jit3A_201 : i32
          %rem3A_206 = arith.remsi %add3A_195, %select_n3A_205 : i32
          %ne3A_207 = arith.constant 0 : i32
          %ne3A_208 = arith.cmpi ne, %rem3A_206, %ne3A_207 : i32
          %lt3A_209 = arith.constant 0 : i32
          %lt3A_210 = arith.cmpi slt, %rem3A_206, %lt3A_209 : i32
          %lt3A_211 = arith.constant 0 : i32
          %lt3A_212 = arith.cmpi slt, %select_n3A_205, %lt3A_211 : i32
          %ne3A_213 = arith.xori %lt3A_210, %lt3A_212 : i1
          %and3A_214 = arith.andi %ne3A_213, %ne3A_208 : i1
          %add3A_215 = arith.addi %rem3A_206, %select_n3A_205 : i32
          %select_n3A_216 = arith.select %and3A_214, %add3A_215, %rem3A_206 : i32
          %mul3A_217 = arith.constant 512 : i32
          %mul3A_218 = arith.muli %select_n3A_216, %mul3A_217 : i32
          %add3A_219 = vector.broadcast %mul3A_218 : i32 to vector<16xi32>
          %add3A_220 = arith.addi %add3A_219, %mul3A_5 : vector<16xi32>
          %add3A_221 = arith.addi %add3A_220, %get3A_200 : vector<16xi32>
          tpu.vector_store_idx %arg5[%add3A_221], %broadcast_in_dim3A_6 {add = true} : memref<4096xf32, #tpu.memory_space<vmem>>[vector<16xi32>], vector<16xf32>,
          %scan3A_222 = arith.constant 6 : i32
          %scan3A_223 = arith.addi %scan3A_39, %scan3A_222 : i32
          %mul3A_224 = arith.constant 1 : i32
          %mul3A_225 = arith.muli %scan3A_223, %mul3A_224 : i32
          %add3A_226 = arith.constant 0 : i32
          %add3A_227 = arith.addi %add3A_226, %mul3A_225 : i32
          %mul3A_228 = arith.constant 16 : i32
          %mul3A_229 = arith.muli %add3A_227, %mul3A_228 : i32
          %get3A_230 = arith.index_cast %add3A_33 : i32 to index
          %get3A_231 = arith.index_cast %mul3A_229 : i32 to index
          %get3A_232 = tpu.vector_load %arg4[%get3A_230, %get3A_231] {strides = array<i32>} : memref<32x512xi32, #tpu.memory_space<vmem>>, vector<16xi32>,
          %jit3A_233 = arith.constant 8 : i32
          %eq3A_234 = arith.constant 0 : i32
          %eq3A_235 = arith.cmpi eq, %jit3A_233, %eq3A_234 : i32
          %jit3A_236 = arith.constant 1 : i32
          %select_n3A_237 = arith.select %eq3A_235, %jit3A_236, %jit3A_233 : i32
          %rem3A_238 = arith.remsi %add3A_227, %select_n3A_237 : i32
          %ne3A_239 = arith.constant 0 : i32
          %ne3A_240 = arith.cmpi ne, %rem3A_238, %ne3A_239 : i32
          %lt3A_241 = arith.constant 0 : i32
          %lt3A_242 = arith.cmpi slt, %rem3A_238, %lt3A_241 : i32
          %lt3A_243 = arith.constant 0 : i32
          %lt3A_244 = arith.cmpi slt, %select_n3A_237, %lt3A_243 : i32
          %ne3A_245 = arith.xori %lt3A_242, %lt3A_244 : i1
          %and3A_246 = arith.andi %ne3A_245, %ne3A_240 : i1
          %add3A_247 = arith.addi %rem3A_238, %select_n3A_237 : i32
          %select_n3A_248 = arith.select %and3A_246, %add3A_247, %rem3A_238 : i32
          %mul3A_249 = arith.constant 512 : i32
          %mul3A_250 = arith.muli %select_n3A_248, %mul3A_249 : i32
          %add3A_251 = vector.broadcast %mul3A_250 : i32 to vector<16xi32>
          %add3A_252 = arith.addi %add3A_251, %mul3A_5 : vector<16xi32>
          %add3A_253 = arith.addi %add3A_252, %get3A_232 : vector<16xi32>
          tpu.vector_store_idx %arg5[%add3A_253], %broadcast_in_dim3A_6 {add = true} : memref<4096xf32, #tpu.memory_space<vmem>>[vector<16xi32>], vector<16xf32>,
          %scan3A_254 = arith.constant 7 : i32
          %scan3A_255 = arith.addi %scan3A_39, %scan3A_254 : i32
          %mul3A_256 = arith.constant 1 : i32
          %mul3A_257 = arith.muli %scan3A_255, %mul3A_256 : i32
          %add3A_258 = arith.constant 0 : i32
          %add3A_259 = arith.addi %add3A_258, %mul3A_257 : i32
          %mul3A_260 = arith.constant 16 : i32
          %mul3A_261 = arith.muli %add3A_259, %mul3A_260 : i32
          %get3A_262 = arith.index_cast %add3A_33 : i32 to index
          %get3A_263 = arith.index_cast %mul3A_261 : i32 to index
          %get3A_264 = tpu.vector_load %arg4[%get3A_262, %get3A_263] {strides = array<i32>} : memref<32x512xi32, #tpu.memory_space<vmem>>, vector<16xi32>,
          %jit3A_265 = arith.constant 8 : i32
          %eq3A_266 = arith.constant 0 : i32
          %eq3A_267 = arith.cmpi eq, %jit3A_265, %eq3A_266 : i32
          %jit3A_268 = arith.constant 1 : i32
          %select_n3A_269 = arith.select %eq3A_267, %jit3A_268, %jit3A_265 : i32
          %rem3A_270 = arith.remsi %add3A_259, %select_n3A_269 : i32
          %ne3A_271 = arith.constant 0 : i32
          %ne3A_272 = arith.cmpi ne, %rem3A_270, %ne3A_271 : i32
          %lt3A_273 = arith.constant 0 : i32
          %lt3A_274 = arith.cmpi slt, %rem3A_270, %lt3A_273 : i32
          %lt3A_275 = arith.constant 0 : i32
          %lt3A_276 = arith.cmpi slt, %select_n3A_269, %lt3A_275 : i32
          %ne3A_277 = arith.xori %lt3A_274, %lt3A_276 : i1
          %and3A_278 = arith.andi %ne3A_277, %ne3A_272 : i1
          %add3A_279 = arith.addi %rem3A_270, %select_n3A_269 : i32
          %select_n3A_280 = arith.select %and3A_278, %add3A_279, %rem3A_270 : i32
          %mul3A_281 = arith.constant 512 : i32
          %mul3A_282 = arith.muli %select_n3A_280, %mul3A_281 : i32
          %add3A_283 = vector.broadcast %mul3A_282 : i32 to vector<16xi32>
          %add3A_284 = arith.addi %add3A_283, %mul3A_5 : vector<16xi32>
          %add3A_285 = arith.addi %add3A_284, %get3A_264 : vector<16xi32>
          tpu.vector_store_idx %arg5[%add3A_285], %broadcast_in_dim3A_6 {add = true} : memref<4096xf32, #tpu.memory_space<vmem>>[vector<16xi32>], vector<16xf32>,
        }
        %scan3A_38 = arith.constant 32 : i32
      }
      %scan3A_28 = arith.constant 32 : i32
    }
    %scan3A_15 = arith.constant 4 : i32
    "tpu.region"() ({
      %run_scoped3A = tpu.sem_alloc : memref<!tpu.dma_semaphore, #tpu.memory_space<semaphore_mem>>
      %dma_start3A = arith.constant 0 : i32
      %dma_start3A_16 = tpu.memref_slice %arg3[%add3A, %dma_start3A] : memref<32x4096xf32, #tpu.memory_space<hbm>> -> memref<1x4096xf32, #tpu.memory_space<hbm>>
      %dma_start3A_17 = tpu.memref_squeeze %dma_start3A_16 : memref<1x4096xf32, #tpu.memory_space<hbm>> -> memref<4096xf32, #tpu.memory_space<hbm>>
      %dma_start3A_18 = arith.constant 0 : i32
      %dma_start3A_19 = tpu.memref_slice %arg3[%add3A, %dma_start3A_18] : memref<32x4096xf32, #tpu.memory_space<hbm>> -> memref<1x4096xf32, #tpu.memory_space<hbm>>
      %dma_start3A_20 = tpu.memref_squeeze %dma_start3A_19 : memref<1x4096xf32, #tpu.memory_space<hbm>> -> memref<4096xf32, #tpu.memory_space<hbm>>
      tpu.enqueue_dma source(%arg5 : memref<4096xf32, #tpu.memory_space<vmem>>) target(%dma_start3A_20 : memref<4096xf32, #tpu.memory_space<hbm>>) target_semaphore(%run_scoped3A : memref<!tpu.dma_semaphore, #tpu.memory_space<semaphore_mem>>)
      %dma_wait3A = arith.constant 0 : i32
      %dma_wait3A_21 = tpu.memref_slice %arg3[%add3A, %dma_wait3A] : memref<32x4096xf32, #tpu.memory_space<hbm>> -> memref<1x4096xf32, #tpu.memory_space<hbm>>
      %dma_wait3A_22 = tpu.memref_squeeze %dma_wait3A_21 : memref<1x4096xf32, #tpu.memory_space<hbm>> -> memref<4096xf32, #tpu.memory_space<hbm>>
      %dma_wait3A_23 = arith.constant 0 : i32
      %dma_wait3A_24 = tpu.memref_slice %arg3[%add3A, %dma_wait3A_23] : memref<32x4096xf32, #tpu.memory_space<hbm>> -> memref<1x4096xf32, #tpu.memory_space<hbm>>
      %dma_wait3A_25 = tpu.memref_squeeze %dma_wait3A_24 : memref<1x4096xf32, #tpu.memory_space<hbm>> -> memref<4096xf32, #tpu.memory_space<hbm>>
      tpu.wait_dma2 semaphore(%run_scoped3A : memref<!tpu.dma_semaphore, #tpu.memory_space<semaphore_mem>>) src(%arg5 : memref<4096xf32, #tpu.memory_space<vmem>>) dst(%dma_wait3A_25 : memref<4096xf32, #tpu.memory_space<hbm>>)
      tpu.yield
    }) : () -> ()
    return
  }
}

module attributes {stable_mosaic.version = 14 : i64} {
  func.func @_tc_body(%arg0: i32, %arg1: i32, %arg2: memref<1x17x256x512xf32, #tpu.memory_space<vmem>>, %arg3: memref<1x256x512xi32, #tpu.memory_space<vmem>>, %arg4: memref<1x17xf32, #tpu.memory_space<vmem>>, %arg5: memref<1x1xf32, #tpu.memory_space<smem>>, %arg6: memref<17x8x512xf32, #tpu.memory_space<vmem>>, %arg7: memref<8x512xf32, #tpu.memory_space<vmem>>) attributes {dimension_semantics = [#tpu.dimension_semantics<arbitrary>, #tpu.dimension_semantics<arbitrary>], iteration_bounds = array<i64: 8, 2>, scalar_prefetch = 0 : i64, scratch_operands = 2 : i64, tpu.core_type = #tpu.core_type<tc>, window_params = [{transform_indices = @transform_0, window_bounds = array<i64: 1, 17, 256, 512>}, {transform_indices = @transform_1, window_bounds = array<i64: 1, 256, 512>}, {pipeline_mode = #tpu.pipeline_mode<synchronous>, transform_indices = @transform_2, window_bounds = array<i64: 1, 17>}, {transform_indices = @transform_3, window_bounds = array<i64: 1, 1>}]} {
    %mul3A = arith.constant 2 : i32
    %mul3A_0 = arith.muli %arg0, %mul3A : i32
    %add3A = arith.addi %mul3A_0, %arg1 : i32
    %eq3A = arith.constant 0 : i32
    %eq3A_1 = arith.cmpi eq, %add3A, %eq3A : i32
    %convert_element_type3A = arith.extui %eq3A_1 : i1 to i32
    %cond3A = arith.constant 0 : i32
    %cond3A_2 = arith.cmpi ne, %convert_element_type3A, %cond3A : i32
    scf.if %cond3A_2 {
      %broadcast_in_dim3A_1345 = arith.constant 0.000000e+00 : f32
      %broadcast_in_dim3A_1346 = vector.broadcast %broadcast_in_dim3A_1345 : f32 to vector<17x8x512xf32>
      %swap3A_1347 = arith.constant 0 : index
      %swap3A_1348 = arith.constant 0 : index
      %swap3A_1349 = arith.constant 0 : index
      %swap3A_1350 = vector.load %arg6[%swap3A_1347, %swap3A_1348, %swap3A_1349] : memref<17x8x512xf32, #tpu.memory_space<vmem>>, vector<17x8x512xf32>
      tpu.vector_store %arg6[%swap3A_1347, %swap3A_1348, %swap3A_1349], %broadcast_in_dim3A_1346 {strides = array<i32>} : memref<17x8x512xf32, #tpu.memory_space<vmem>>, vector<17x8x512xf32>,
      %broadcast_in_dim3A_1351 = arith.constant 0.000000e+00 : f32
      %broadcast_in_dim3A_1352 = vector.broadcast %broadcast_in_dim3A_1351 : f32 to vector<8x512xf32>
      %swap3A_1353 = arith.constant 0 : index
      %swap3A_1354 = arith.constant 0 : index
      %swap3A_1355 = vector.load %arg7[%swap3A_1353, %swap3A_1354] : memref<8x512xf32, #tpu.memory_space<vmem>>, vector<8x512xf32>
      tpu.vector_store %arg7[%swap3A_1353, %swap3A_1354], %broadcast_in_dim3A_1352 {strides = array<i32>} : memref<8x512xf32, #tpu.memory_space<vmem>>, vector<8x512xf32>,
    } else {
    }
    %iota3A = tpu.iota {dimensions = array<i32: 0>} : vector<17x8x512xi32>
    %get3A = arith.constant 0 : index
    %get3A_3 = arith.constant 0 : index
    %get3A_4 = arith.constant 0 : index
    %get3A_5 = arith.constant 0 : index
    %get3A_6 = vector.load %arg2[%get3A, %get3A_3, %get3A_4, %get3A_5] : memref<1x17x256x512xf32, #tpu.memory_space<vmem>>, vector<1x17x8x512xf32>
    %get3A_7 = vector.shape_cast %get3A_6 : vector<1x17x8x512xf32> to vector<17x8x512xf32>
    %get3A_8 = arith.constant 0 : index
    %get3A_9 = arith.constant 0 : index
    %get3A_10 = arith.constant 0 : index
    %get3A_11 = vector.load %arg3[%get3A_8, %get3A_9, %get3A_10] : memref<1x256x512xi32, #tpu.memory_space<vmem>>, vector<1x8x512xi32>
    %get3A_12 = vector.shape_cast %get3A_11 : vector<1x8x512xi32> to vector<8x512xi32>
    %mul3A_13 = arith.constant 5.000000e-01 : f32
    %mul3A_14 = vector.broadcast %mul3A_13 : f32 to vector<17x8x512xf32>
    %mul3A_15 = arith.mulf %mul3A_14, %get3A_7 : vector<17x8x512xf32>
    %tanh3A = math.tanh %mul3A_15 : vector<17x8x512xf32>
    %broadcast_in_dim3A = vector.shape_cast %get3A_12 : vector<8x512xi32> to vector<1x8x512xi32>
    %eq3A_16 = vector.broadcast %broadcast_in_dim3A : vector<1x8x512xi32> to vector<17x8x512xi32>
    %eq3A_17 = arith.cmpi eq, %iota3A, %eq3A_16 : vector<17x8x512xi32>
    %jit3A = arith.constant 2.000000e+00 : f32
    %jit3A_18 = arith.constant 0.000000e+00 : f32
    %broadcast_in_dim3A_19 = vector.broadcast %jit3A : f32 to vector<17x8x512xf32>
    %broadcast_in_dim3A_20 = vector.broadcast %jit3A_18 : f32 to vector<17x8x512xf32>
    %select_n3A = arith.select %eq3A_17, %broadcast_in_dim3A_19, %broadcast_in_dim3A_20 : vector<17x8x512xi1>, vector<17x8x512xf32>
    %get3A_21 = arith.constant 0 : index
    %get3A_22 = arith.constant 0 : index
    %get3A_23 = arith.constant 0 : index
    %get3A_24 = vector.load %arg6[%get3A_21, %get3A_22, %get3A_23] : memref<17x8x512xf32, #tpu.memory_space<vmem>>, vector<17x8x512xf32>
    %add3A_25 = arith.addf %get3A_24, %tanh3A : vector<17x8x512xf32>
    %swap3A = arith.constant 0 : index
    %swap3A_26 = arith.constant 0 : index
    %swap3A_27 = arith.constant 0 : index
    %swap3A_28 = vector.load %arg6[%swap3A, %swap3A_26, %swap3A_27] : memref<17x8x512xf32, #tpu.memory_space<vmem>>, vector<17x8x512xf32>
    tpu.vector_store %arg6[%swap3A, %swap3A_26, %swap3A_27], %add3A_25 {strides = array<i32>} : memref<17x8x512xf32, #tpu.memory_space<vmem>>, vector<17x8x512xf32>,
    %get3A_29 = arith.constant 0 : index
    %get3A_30 = arith.constant 0 : index
    %get3A_31 = vector.load %arg7[%get3A_29, %get3A_30] : memref<8x512xf32, #tpu.memory_space<vmem>>, vector<8x512xf32>
    %mul3A_32 = arith.mulf %tanh3A, %select_n3A : vector<17x8x512xf32>
    %reduce_sum3A = arith.constant dense<0.000000e+00> : vector<8x512xf32>
    %reduce_sum3A_33 = vector.multi_reduction <add>, %mul3A_32, %reduce_sum3A [0] : vector<17x8x512xf32> to vector<8x512xf32>
    %add3A_34 = arith.addf %get3A_31, %reduce_sum3A_33 : vector<8x512xf32>
    %swap3A_35 = arith.constant 0 : index
    %swap3A_36 = arith.constant 0 : index
    %swap3A_37 = vector.load %arg7[%swap3A_35, %swap3A_36] : memref<8x512xf32, #tpu.memory_space<vmem>>, vector<8x512xf32>
    tpu.vector_store %arg7[%swap3A_35, %swap3A_36], %add3A_34 {strides = array<i32>} : memref<8x512xf32, #tpu.memory_space<vmem>>, vector<8x512xf32>,
    %get3A_38 = arith.constant 0 : index
    %get3A_39 = arith.constant 0 : index
    %get3A_40 = arith.constant 8 : index
    %get3A_41 = arith.constant 0 : index
    %get3A_42 = vector.load %arg2[%get3A_38, %get3A_39, %get3A_40, %get3A_41] : memref<1x17x256x512xf32, #tpu.memory_space<vmem>>, vector<1x17x8x512xf32>
    %get3A_43 = vector.shape_cast %get3A_42 : vector<1x17x8x512xf32> to vector<17x8x512xf32>
    %get3A_44 = arith.constant 0 : index
    %get3A_45 = arith.constant 8 : index
    %get3A_46 = arith.constant 0 : index
    %get3A_47 = vector.load %arg3[%get3A_44, %get3A_45, %get3A_46] : memref<1x256x512xi32, #tpu.memory_space<vmem>>, vector<1x8x512xi32>
    %get3A_48 = vector.shape_cast %get3A_47 : vector<1x8x512xi32> to vector<8x512xi32>
    %mul3A_49 = arith.constant 5.000000e-01 : f32
    %mul3A_50 = vector.broadcast %mul3A_49 : f32 to vector<17x8x512xf32>
    %mul3A_51 = arith.mulf %mul3A_50, %get3A_43 : vector<17x8x512xf32>
    %tanh3A_52 = math.tanh %mul3A_51 : vector<17x8x512xf32>
    %broadcast_in_dim3A_53 = vector.shape_cast %get3A_48 : vector<8x512xi32> to vector<1x8x512xi32>
    %eq3A_54 = vector.broadcast %broadcast_in_dim3A_53 : vector<1x8x512xi32> to vector<17x8x512xi32>
    %eq3A_55 = arith.cmpi eq, %iota3A, %eq3A_54 : vector<17x8x512xi32>
    %jit3A_56 = arith.constant 2.000000e+00 : f32
    %jit3A_57 = arith.constant 0.000000e+00 : f32
    %broadcast_in_dim3A_58 = vector.broadcast %jit3A_56 : f32 to vector<17x8x512xf32>
    %broadcast_in_dim3A_59 = vector.broadcast %jit3A_57 : f32 to vector<17x8x512xf32>
    %select_n3A_60 = arith.select %eq3A_55, %broadcast_in_dim3A_58, %broadcast_in_dim3A_59 : vector<17x8x512xi1>, vector<17x8x512xf32>
    %get3A_61 = arith.constant 0 : index
    %get3A_62 = arith.constant 0 : index
    %get3A_63 = arith.constant 0 : index
    %get3A_64 = vector.load %arg6[%get3A_61, %get3A_62, %get3A_63] : memref<17x8x512xf32, #tpu.memory_space<vmem>>, vector<17x8x512xf32>
    %add3A_65 = arith.addf %get3A_64, %tanh3A_52 : vector<17x8x512xf32>
    %swap3A_66 = arith.constant 0 : index
    %swap3A_67 = arith.constant 0 : index
    %swap3A_68 = arith.constant 0 : index
    %swap3A_69 = vector.load %arg6[%swap3A_66, %swap3A_67, %swap3A_68] : memref<17x8x512xf32, #tpu.memory_space<vmem>>, vector<17x8x512xf32>
    tpu.vector_store %arg6[%swap3A_66, %swap3A_67, %swap3A_68], %add3A_65 {strides = array<i32>} : memref<17x8x512xf32, #tpu.memory_space<vmem>>, vector<17x8x512xf32>,
    %get3A_70 = arith.constant 0 : index
    %get3A_71 = arith.constant 0 : index
    %get3A_72 = vector.load %arg7[%get3A_70, %get3A_71] : memref<8x512xf32, #tpu.memory_space<vmem>>, vector<8x512xf32>
    %mul3A_73 = arith.mulf %tanh3A_52, %select_n3A_60 : vector<17x8x512xf32>
    %reduce_sum3A_74 = arith.constant dense<0.000000e+00> : vector<8x512xf32>
    %reduce_sum3A_75 = vector.multi_reduction <add>, %mul3A_73, %reduce_sum3A_74 [0] : vector<17x8x512xf32> to vector<8x512xf32>
    %add3A_76 = arith.addf %get3A_72, %reduce_sum3A_75 : vector<8x512xf32>
    %swap3A_77 = arith.constant 0 : index
    %swap3A_78 = arith.constant 0 : index
    %swap3A_79 = vector.load %arg7[%swap3A_77, %swap3A_78] : memref<8x512xf32, #tpu.memory_space<vmem>>, vector<8x512xf32>
    tpu.vector_store %arg7[%swap3A_77, %swap3A_78], %add3A_76 {strides = array<i32>} : memref<8x512xf32, #tpu.memory_space<vmem>>, vector<8x512xf32>,
    %get3A_80 = arith.constant 0 : index
    %get3A_81 = arith.constant 0 : index
    %get3A_82 = arith.constant 16 : index
    %get3A_83 = arith.constant 0 : index
    %get3A_84 = vector.load %arg2[%get3A_80, %get3A_81, %get3A_82, %get3A_83] : memref<1x17x256x512xf32, #tpu.memory_space<vmem>>, vector<1x17x8x512xf32>
    %get3A_85 = vector.shape_cast %get3A_84 : vector<1x17x8x512xf32> to vector<17x8x512xf32>
    %get3A_86 = arith.constant 0 : index
    %get3A_87 = arith.constant 16 : index
    %get3A_88 = arith.constant 0 : index
    %get3A_89 = vector.load %arg3[%get3A_86, %get3A_87, %get3A_88] : memref<1x256x512xi32, #tpu.memory_space<vmem>>, vector<1x8x512xi32>
    %get3A_90 = vector.shape_cast %get3A_89 : vector<1x8x512xi32> to vector<8x512xi32>
    %mul3A_91 = arith.constant 5.000000e-01 : f32
    %mul3A_92 = vector.broadcast %mul3A_91 : f32 to vector<17x8x512xf32>
    %mul3A_93 = arith.mulf %mul3A_92, %get3A_85 : vector<17x8x512xf32>
    %tanh3A_94 = math.tanh %mul3A_93 : vector<17x8x512xf32>
    %broadcast_in_dim3A_95 = vector.shape_cast %get3A_90 : vector<8x512xi32> to vector<1x8x512xi32>
    %eq3A_96 = vector.broadcast %broadcast_in_dim3A_95 : vector<1x8x512xi32> to vector<17x8x512xi32>
    %eq3A_97 = arith.cmpi eq, %iota3A, %eq3A_96 : vector<17x8x512xi32>
    %jit3A_98 = arith.constant 2.000000e+00 : f32
    %jit3A_99 = arith.constant 0.000000e+00 : f32
    %broadcast_in_dim3A_100 = vector.broadcast %jit3A_98 : f32 to vector<17x8x512xf32>
    %broadcast_in_dim3A_101 = vector.broadcast %jit3A_99 : f32 to vector<17x8x512xf32>
    %select_n3A_102 = arith.select %eq3A_97, %broadcast_in_dim3A_100, %broadcast_in_dim3A_101 : vector<17x8x512xi1>, vector<17x8x512xf32>
    %get3A_103 = arith.constant 0 : index
    %get3A_104 = arith.constant 0 : index
    %get3A_105 = arith.constant 0 : index
    %get3A_106 = vector.load %arg6[%get3A_103, %get3A_104, %get3A_105] : memref<17x8x512xf32, #tpu.memory_space<vmem>>, vector<17x8x512xf32>
    %add3A_107 = arith.addf %get3A_106, %tanh3A_94 : vector<17x8x512xf32>
    %swap3A_108 = arith.constant 0 : index
    %swap3A_109 = arith.constant 0 : index
    %swap3A_110 = arith.constant 0 : index
    %swap3A_111 = vector.load %arg6[%swap3A_108, %swap3A_109, %swap3A_110] : memref<17x8x512xf32, #tpu.memory_space<vmem>>, vector<17x8x512xf32>
    tpu.vector_store %arg6[%swap3A_108, %swap3A_109, %swap3A_110], %add3A_107 {strides = array<i32>} : memref<17x8x512xf32, #tpu.memory_space<vmem>>, vector<17x8x512xf32>,
    %get3A_112 = arith.constant 0 : index
    %get3A_113 = arith.constant 0 : index
    %get3A_114 = vector.load %arg7[%get3A_112, %get3A_113] : memref<8x512xf32, #tpu.memory_space<vmem>>, vector<8x512xf32>
    %mul3A_115 = arith.mulf %tanh3A_94, %select_n3A_102 : vector<17x8x512xf32>
    %reduce_sum3A_116 = arith.constant dense<0.000000e+00> : vector<8x512xf32>
    %reduce_sum3A_117 = vector.multi_reduction <add>, %mul3A_115, %reduce_sum3A_116 [0] : vector<17x8x512xf32> to vector<8x512xf32>
    %add3A_118 = arith.addf %get3A_114, %reduce_sum3A_117 : vector<8x512xf32>
    %swap3A_119 = arith.constant 0 : index
    %swap3A_120 = arith.constant 0 : index
    %swap3A_121 = vector.load %arg7[%swap3A_119, %swap3A_120] : memref<8x512xf32, #tpu.memory_space<vmem>>, vector<8x512xf32>
    tpu.vector_store %arg7[%swap3A_119, %swap3A_120], %add3A_118 {strides = array<i32>} : memref<8x512xf32, #tpu.memory_space<vmem>>, vector<8x512xf32>,
    %get3A_122 = arith.constant 0 : index
    %get3A_123 = arith.constant 0 : index
    %get3A_124 = arith.constant 24 : index
    %get3A_125 = arith.constant 0 : index
    %get3A_126 = vector.load %arg2[%get3A_122, %get3A_123, %get3A_124, %get3A_125] : memref<1x17x256x512xf32, #tpu.memory_space<vmem>>, vector<1x17x8x512xf32>
    %get3A_127 = vector.shape_cast %get3A_126 : vector<1x17x8x512xf32> to vector<17x8x512xf32>
    %get3A_128 = arith.constant 0 : index
    %get3A_129 = arith.constant 24 : index
    %get3A_130 = arith.constant 0 : index
    %get3A_131 = vector.load %arg3[%get3A_128, %get3A_129, %get3A_130] : memref<1x256x512xi32, #tpu.memory_space<vmem>>, vector<1x8x512xi32>
    %get3A_132 = vector.shape_cast %get3A_131 : vector<1x8x512xi32> to vector<8x512xi32>
    %mul3A_133 = arith.constant 5.000000e-01 : f32
    %mul3A_134 = vector.broadcast %mul3A_133 : f32 to vector<17x8x512xf32>
    %mul3A_135 = arith.mulf %mul3A_134, %get3A_127 : vector<17x8x512xf32>
    %tanh3A_136 = math.tanh %mul3A_135 : vector<17x8x512xf32>
    %broadcast_in_dim3A_137 = vector.shape_cast %get3A_132 : vector<8x512xi32> to vector<1x8x512xi32>
    %eq3A_138 = vector.broadcast %broadcast_in_dim3A_137 : vector<1x8x512xi32> to vector<17x8x512xi32>
    %eq3A_139 = arith.cmpi eq, %iota3A, %eq3A_138 : vector<17x8x512xi32>
    %jit3A_140 = arith.constant 2.000000e+00 : f32
    %jit3A_141 = arith.constant 0.000000e+00 : f32
    %broadcast_in_dim3A_142 = vector.broadcast %jit3A_140 : f32 to vector<17x8x512xf32>
    %broadcast_in_dim3A_143 = vector.broadcast %jit3A_141 : f32 to vector<17x8x512xf32>
    %select_n3A_144 = arith.select %eq3A_139, %broadcast_in_dim3A_142, %broadcast_in_dim3A_143 : vector<17x8x512xi1>, vector<17x8x512xf32>
    %get3A_145 = arith.constant 0 : index
    %get3A_146 = arith.constant 0 : index
    %get3A_147 = arith.constant 0 : index
    %get3A_148 = vector.load %arg6[%get3A_145, %get3A_146, %get3A_147] : memref<17x8x512xf32, #tpu.memory_space<vmem>>, vector<17x8x512xf32>
    %add3A_149 = arith.addf %get3A_148, %tanh3A_136 : vector<17x8x512xf32>
    %swap3A_150 = arith.constant 0 : index
    %swap3A_151 = arith.constant 0 : index
    %swap3A_152 = arith.constant 0 : index
    %swap3A_153 = vector.load %arg6[%swap3A_150, %swap3A_151, %swap3A_152] : memref<17x8x512xf32, #tpu.memory_space<vmem>>, vector<17x8x512xf32>
    tpu.vector_store %arg6[%swap3A_150, %swap3A_151, %swap3A_152], %add3A_149 {strides = array<i32>} : memref<17x8x512xf32, #tpu.memory_space<vmem>>, vector<17x8x512xf32>,
    %get3A_154 = arith.constant 0 : index
    %get3A_155 = arith.constant 0 : index
    %get3A_156 = vector.load %arg7[%get3A_154, %get3A_155] : memref<8x512xf32, #tpu.memory_space<vmem>>, vector<8x512xf32>
    %mul3A_157 = arith.mulf %tanh3A_136, %select_n3A_144 : vector<17x8x512xf32>
    %reduce_sum3A_158 = arith.constant dense<0.000000e+00> : vector<8x512xf32>
    %reduce_sum3A_159 = vector.multi_reduction <add>, %mul3A_157, %reduce_sum3A_158 [0] : vector<17x8x512xf32> to vector<8x512xf32>
    %add3A_160 = arith.addf %get3A_156, %reduce_sum3A_159 : vector<8x512xf32>
    %swap3A_161 = arith.constant 0 : index
    %swap3A_162 = arith.constant 0 : index
    %swap3A_163 = vector.load %arg7[%swap3A_161, %swap3A_162] : memref<8x512xf32, #tpu.memory_space<vmem>>, vector<8x512xf32>
    tpu.vector_store %arg7[%swap3A_161, %swap3A_162], %add3A_160 {strides = array<i32>} : memref<8x512xf32, #tpu.memory_space<vmem>>, vector<8x512xf32>,
    %get3A_164 = arith.constant 0 : index
    %get3A_165 = arith.constant 0 : index
    %get3A_166 = arith.constant 32 : index
    %get3A_167 = arith.constant 0 : index
    %get3A_168 = vector.load %arg2[%get3A_164, %get3A_165, %get3A_166, %get3A_167] : memref<1x17x256x512xf32, #tpu.memory_space<vmem>>, vector<1x17x8x512xf32>
    %get3A_169 = vector.shape_cast %get3A_168 : vector<1x17x8x512xf32> to vector<17x8x512xf32>
    %get3A_170 = arith.constant 0 : index
    %get3A_171 = arith.constant 32 : index
    %get3A_172 = arith.constant 0 : index
    %get3A_173 = vector.load %arg3[%get3A_170, %get3A_171, %get3A_172] : memref<1x256x512xi32, #tpu.memory_space<vmem>>, vector<1x8x512xi32>
    %get3A_174 = vector.shape_cast %get3A_173 : vector<1x8x512xi32> to vector<8x512xi32>
    %mul3A_175 = arith.constant 5.000000e-01 : f32
    %mul3A_176 = vector.broadcast %mul3A_175 : f32 to vector<17x8x512xf32>
    %mul3A_177 = arith.mulf %mul3A_176, %get3A_169 : vector<17x8x512xf32>
    %tanh3A_178 = math.tanh %mul3A_177 : vector<17x8x512xf32>
    %broadcast_in_dim3A_179 = vector.shape_cast %get3A_174 : vector<8x512xi32> to vector<1x8x512xi32>
    %eq3A_180 = vector.broadcast %broadcast_in_dim3A_179 : vector<1x8x512xi32> to vector<17x8x512xi32>
    %eq3A_181 = arith.cmpi eq, %iota3A, %eq3A_180 : vector<17x8x512xi32>
    %jit3A_182 = arith.constant 2.000000e+00 : f32
    %jit3A_183 = arith.constant 0.000000e+00 : f32
    %broadcast_in_dim3A_184 = vector.broadcast %jit3A_182 : f32 to vector<17x8x512xf32>
    %broadcast_in_dim3A_185 = vector.broadcast %jit3A_183 : f32 to vector<17x8x512xf32>
    %select_n3A_186 = arith.select %eq3A_181, %broadcast_in_dim3A_184, %broadcast_in_dim3A_185 : vector<17x8x512xi1>, vector<17x8x512xf32>
    %get3A_187 = arith.constant 0 : index
    %get3A_188 = arith.constant 0 : index
    %get3A_189 = arith.constant 0 : index
    %get3A_190 = vector.load %arg6[%get3A_187, %get3A_188, %get3A_189] : memref<17x8x512xf32, #tpu.memory_space<vmem>>, vector<17x8x512xf32>
    %add3A_191 = arith.addf %get3A_190, %tanh3A_178 : vector<17x8x512xf32>
    %swap3A_192 = arith.constant 0 : index
    %swap3A_193 = arith.constant 0 : index
    %swap3A_194 = arith.constant 0 : index
    %swap3A_195 = vector.load %arg6[%swap3A_192, %swap3A_193, %swap3A_194] : memref<17x8x512xf32, #tpu.memory_space<vmem>>, vector<17x8x512xf32>
    tpu.vector_store %arg6[%swap3A_192, %swap3A_193, %swap3A_194], %add3A_191 {strides = array<i32>} : memref<17x8x512xf32, #tpu.memory_space<vmem>>, vector<17x8x512xf32>,
    %get3A_196 = arith.constant 0 : index
    %get3A_197 = arith.constant 0 : index
    %get3A_198 = vector.load %arg7[%get3A_196, %get3A_197] : memref<8x512xf32, #tpu.memory_space<vmem>>, vector<8x512xf32>
    %mul3A_199 = arith.mulf %tanh3A_178, %select_n3A_186 : vector<17x8x512xf32>
    %reduce_sum3A_200 = arith.constant dense<0.000000e+00> : vector<8x512xf32>
    %reduce_sum3A_201 = vector.multi_reduction <add>, %mul3A_199, %reduce_sum3A_200 [0] : vector<17x8x512xf32> to vector<8x512xf32>
    %add3A_202 = arith.addf %get3A_198, %reduce_sum3A_201 : vector<8x512xf32>
    %swap3A_203 = arith.constant 0 : index
    %swap3A_204 = arith.constant 0 : index
    %swap3A_205 = vector.load %arg7[%swap3A_203, %swap3A_204] : memref<8x512xf32, #tpu.memory_space<vmem>>, vector<8x512xf32>
    tpu.vector_store %arg7[%swap3A_203, %swap3A_204], %add3A_202 {strides = array<i32>} : memref<8x512xf32, #tpu.memory_space<vmem>>, vector<8x512xf32>,
    %get3A_206 = arith.constant 0 : index
    %get3A_207 = arith.constant 0 : index
    %get3A_208 = arith.constant 40 : index
    %get3A_209 = arith.constant 0 : index
    %get3A_210 = vector.load %arg2[%get3A_206, %get3A_207, %get3A_208, %get3A_209] : memref<1x17x256x512xf32, #tpu.memory_space<vmem>>, vector<1x17x8x512xf32>
    %get3A_211 = vector.shape_cast %get3A_210 : vector<1x17x8x512xf32> to vector<17x8x512xf32>
    %get3A_212 = arith.constant 0 : index
    %get3A_213 = arith.constant 40 : index
    %get3A_214 = arith.constant 0 : index
    %get3A_215 = vector.load %arg3[%get3A_212, %get3A_213, %get3A_214] : memref<1x256x512xi32, #tpu.memory_space<vmem>>, vector<1x8x512xi32>
    %get3A_216 = vector.shape_cast %get3A_215 : vector<1x8x512xi32> to vector<8x512xi32>
    %mul3A_217 = arith.constant 5.000000e-01 : f32
    %mul3A_218 = vector.broadcast %mul3A_217 : f32 to vector<17x8x512xf32>
    %mul3A_219 = arith.mulf %mul3A_218, %get3A_211 : vector<17x8x512xf32>
    %tanh3A_220 = math.tanh %mul3A_219 : vector<17x8x512xf32>
    %broadcast_in_dim3A_221 = vector.shape_cast %get3A_216 : vector<8x512xi32> to vector<1x8x512xi32>
    %eq3A_222 = vector.broadcast %broadcast_in_dim3A_221 : vector<1x8x512xi32> to vector<17x8x512xi32>
    %eq3A_223 = arith.cmpi eq, %iota3A, %eq3A_222 : vector<17x8x512xi32>
    %jit3A_224 = arith.constant 2.000000e+00 : f32
    %jit3A_225 = arith.constant 0.000000e+00 : f32
    %broadcast_in_dim3A_226 = vector.broadcast %jit3A_224 : f32 to vector<17x8x512xf32>
    %broadcast_in_dim3A_227 = vector.broadcast %jit3A_225 : f32 to vector<17x8x512xf32>
    %select_n3A_228 = arith.select %eq3A_223, %broadcast_in_dim3A_226, %broadcast_in_dim3A_227 : vector<17x8x512xi1>, vector<17x8x512xf32>
    %get3A_229 = arith.constant 0 : index
    %get3A_230 = arith.constant 0 : index
    %get3A_231 = arith.constant 0 : index
    %get3A_232 = vector.load %arg6[%get3A_229, %get3A_230, %get3A_231] : memref<17x8x512xf32, #tpu.memory_space<vmem>>, vector<17x8x512xf32>
    %add3A_233 = arith.addf %get3A_232, %tanh3A_220 : vector<17x8x512xf32>
    %swap3A_234 = arith.constant 0 : index
    %swap3A_235 = arith.constant 0 : index
    %swap3A_236 = arith.constant 0 : index
    %swap3A_237 = vector.load %arg6[%swap3A_234, %swap3A_235, %swap3A_236] : memref<17x8x512xf32, #tpu.memory_space<vmem>>, vector<17x8x512xf32>
    tpu.vector_store %arg6[%swap3A_234, %swap3A_235, %swap3A_236], %add3A_233 {strides = array<i32>} : memref<17x8x512xf32, #tpu.memory_space<vmem>>, vector<17x8x512xf32>,
    %get3A_238 = arith.constant 0 : index
    %get3A_239 = arith.constant 0 : index
    %get3A_240 = vector.load %arg7[%get3A_238, %get3A_239] : memref<8x512xf32, #tpu.memory_space<vmem>>, vector<8x512xf32>
    %mul3A_241 = arith.mulf %tanh3A_220, %select_n3A_228 : vector<17x8x512xf32>
    %reduce_sum3A_242 = arith.constant dense<0.000000e+00> : vector<8x512xf32>
    %reduce_sum3A_243 = vector.multi_reduction <add>, %mul3A_241, %reduce_sum3A_242 [0] : vector<17x8x512xf32> to vector<8x512xf32>
    %add3A_244 = arith.addf %get3A_240, %reduce_sum3A_243 : vector<8x512xf32>
    %swap3A_245 = arith.constant 0 : index
    %swap3A_246 = arith.constant 0 : index
    %swap3A_247 = vector.load %arg7[%swap3A_245, %swap3A_246] : memref<8x512xf32, #tpu.memory_space<vmem>>, vector<8x512xf32>
    tpu.vector_store %arg7[%swap3A_245, %swap3A_246], %add3A_244 {strides = array<i32>} : memref<8x512xf32, #tpu.memory_space<vmem>>, vector<8x512xf32>,
    %get3A_248 = arith.constant 0 : index
    %get3A_249 = arith.constant 0 : index
    %get3A_250 = arith.constant 48 : index
    %get3A_251 = arith.constant 0 : index
    %get3A_252 = vector.load %arg2[%get3A_248, %get3A_249, %get3A_250, %get3A_251] : memref<1x17x256x512xf32, #tpu.memory_space<vmem>>, vector<1x17x8x512xf32>
    %get3A_253 = vector.shape_cast %get3A_252 : vector<1x17x8x512xf32> to vector<17x8x512xf32>
    %get3A_254 = arith.constant 0 : index
    %get3A_255 = arith.constant 48 : index
    %get3A_256 = arith.constant 0 : index
    %get3A_257 = vector.load %arg3[%get3A_254, %get3A_255, %get3A_256] : memref<1x256x512xi32, #tpu.memory_space<vmem>>, vector<1x8x512xi32>
    %get3A_258 = vector.shape_cast %get3A_257 : vector<1x8x512xi32> to vector<8x512xi32>
    %mul3A_259 = arith.constant 5.000000e-01 : f32
    %mul3A_260 = vector.broadcast %mul3A_259 : f32 to vector<17x8x512xf32>
    %mul3A_261 = arith.mulf %mul3A_260, %get3A_253 : vector<17x8x512xf32>
    %tanh3A_262 = math.tanh %mul3A_261 : vector<17x8x512xf32>
    %broadcast_in_dim3A_263 = vector.shape_cast %get3A_258 : vector<8x512xi32> to vector<1x8x512xi32>
    %eq3A_264 = vector.broadcast %broadcast_in_dim3A_263 : vector<1x8x512xi32> to vector<17x8x512xi32>
    %eq3A_265 = arith.cmpi eq, %iota3A, %eq3A_264 : vector<17x8x512xi32>
    %jit3A_266 = arith.constant 2.000000e+00 : f32
    %jit3A_267 = arith.constant 0.000000e+00 : f32
    %broadcast_in_dim3A_268 = vector.broadcast %jit3A_266 : f32 to vector<17x8x512xf32>
    %broadcast_in_dim3A_269 = vector.broadcast %jit3A_267 : f32 to vector<17x8x512xf32>
    %select_n3A_270 = arith.select %eq3A_265, %broadcast_in_dim3A_268, %broadcast_in_dim3A_269 : vector<17x8x512xi1>, vector<17x8x512xf32>
    %get3A_271 = arith.constant 0 : index
    %get3A_272 = arith.constant 0 : index
    %get3A_273 = arith.constant 0 : index
    %get3A_274 = vector.load %arg6[%get3A_271, %get3A_272, %get3A_273] : memref<17x8x512xf32, #tpu.memory_space<vmem>>, vector<17x8x512xf32>
    %add3A_275 = arith.addf %get3A_274, %tanh3A_262 : vector<17x8x512xf32>
    %swap3A_276 = arith.constant 0 : index
    %swap3A_277 = arith.constant 0 : index
    %swap3A_278 = arith.constant 0 : index
    %swap3A_279 = vector.load %arg6[%swap3A_276, %swap3A_277, %swap3A_278] : memref<17x8x512xf32, #tpu.memory_space<vmem>>, vector<17x8x512xf32>
    tpu.vector_store %arg6[%swap3A_276, %swap3A_277, %swap3A_278], %add3A_275 {strides = array<i32>} : memref<17x8x512xf32, #tpu.memory_space<vmem>>, vector<17x8x512xf32>,
    %get3A_280 = arith.constant 0 : index
    %get3A_281 = arith.constant 0 : index
    %get3A_282 = vector.load %arg7[%get3A_280, %get3A_281] : memref<8x512xf32, #tpu.memory_space<vmem>>, vector<8x512xf32>
    %mul3A_283 = arith.mulf %tanh3A_262, %select_n3A_270 : vector<17x8x512xf32>
    %reduce_sum3A_284 = arith.constant dense<0.000000e+00> : vector<8x512xf32>
    %reduce_sum3A_285 = vector.multi_reduction <add>, %mul3A_283, %reduce_sum3A_284 [0] : vector<17x8x512xf32> to vector<8x512xf32>
    %add3A_286 = arith.addf %get3A_282, %reduce_sum3A_285 : vector<8x512xf32>
    %swap3A_287 = arith.constant 0 : index
    %swap3A_288 = arith.constant 0 : index
    %swap3A_289 = vector.load %arg7[%swap3A_287, %swap3A_288] : memref<8x512xf32, #tpu.memory_space<vmem>>, vector<8x512xf32>
    tpu.vector_store %arg7[%swap3A_287, %swap3A_288], %add3A_286 {strides = array<i32>} : memref<8x512xf32, #tpu.memory_space<vmem>>, vector<8x512xf32>,
    %get3A_290 = arith.constant 0 : index
    %get3A_291 = arith.constant 0 : index
    %get3A_292 = arith.constant 56 : index
    %get3A_293 = arith.constant 0 : index
    %get3A_294 = vector.load %arg2[%get3A_290, %get3A_291, %get3A_292, %get3A_293] : memref<1x17x256x512xf32, #tpu.memory_space<vmem>>, vector<1x17x8x512xf32>
    %get3A_295 = vector.shape_cast %get3A_294 : vector<1x17x8x512xf32> to vector<17x8x512xf32>
    %get3A_296 = arith.constant 0 : index
    %get3A_297 = arith.constant 56 : index
    %get3A_298 = arith.constant 0 : index
    %get3A_299 = vector.load %arg3[%get3A_296, %get3A_297, %get3A_298] : memref<1x256x512xi32, #tpu.memory_space<vmem>>, vector<1x8x512xi32>
    %get3A_300 = vector.shape_cast %get3A_299 : vector<1x8x512xi32> to vector<8x512xi32>
    %mul3A_301 = arith.constant 5.000000e-01 : f32
    %mul3A_302 = vector.broadcast %mul3A_301 : f32 to vector<17x8x512xf32>
    %mul3A_303 = arith.mulf %mul3A_302, %get3A_295 : vector<17x8x512xf32>
    %tanh3A_304 = math.tanh %mul3A_303 : vector<17x8x512xf32>
    %broadcast_in_dim3A_305 = vector.shape_cast %get3A_300 : vector<8x512xi32> to vector<1x8x512xi32>
    %eq3A_306 = vector.broadcast %broadcast_in_dim3A_305 : vector<1x8x512xi32> to vector<17x8x512xi32>
    %eq3A_307 = arith.cmpi eq, %iota3A, %eq3A_306 : vector<17x8x512xi32>
    %jit3A_308 = arith.constant 2.000000e+00 : f32
    %jit3A_309 = arith.constant 0.000000e+00 : f32
    %broadcast_in_dim3A_310 = vector.broadcast %jit3A_308 : f32 to vector<17x8x512xf32>
    %broadcast_in_dim3A_311 = vector.broadcast %jit3A_309 : f32 to vector<17x8x512xf32>
    %select_n3A_312 = arith.select %eq3A_307, %broadcast_in_dim3A_310, %broadcast_in_dim3A_311 : vector<17x8x512xi1>, vector<17x8x512xf32>
    %get3A_313 = arith.constant 0 : index
    %get3A_314 = arith.constant 0 : index
    %get3A_315 = arith.constant 0 : index
    %get3A_316 = vector.load %arg6[%get3A_313, %get3A_314, %get3A_315] : memref<17x8x512xf32, #tpu.memory_space<vmem>>, vector<17x8x512xf32>
    %add3A_317 = arith.addf %get3A_316, %tanh3A_304 : vector<17x8x512xf32>
    %swap3A_318 = arith.constant 0 : index
    %swap3A_319 = arith.constant 0 : index
    %swap3A_320 = arith.constant 0 : index
    %swap3A_321 = vector.load %arg6[%swap3A_318, %swap3A_319, %swap3A_320] : memref<17x8x512xf32, #tpu.memory_space<vmem>>, vector<17x8x512xf32>
    tpu.vector_store %arg6[%swap3A_318, %swap3A_319, %swap3A_320], %add3A_317 {strides = array<i32>} : memref<17x8x512xf32, #tpu.memory_space<vmem>>, vector<17x8x512xf32>,
    %get3A_322 = arith.constant 0 : index
    %get3A_323 = arith.constant 0 : index
    %get3A_324 = vector.load %arg7[%get3A_322, %get3A_323] : memref<8x512xf32, #tpu.memory_space<vmem>>, vector<8x512xf32>
    %mul3A_325 = arith.mulf %tanh3A_304, %select_n3A_312 : vector<17x8x512xf32>
    %reduce_sum3A_326 = arith.constant dense<0.000000e+00> : vector<8x512xf32>
    %reduce_sum3A_327 = vector.multi_reduction <add>, %mul3A_325, %reduce_sum3A_326 [0] : vector<17x8x512xf32> to vector<8x512xf32>
    %add3A_328 = arith.addf %get3A_324, %reduce_sum3A_327 : vector<8x512xf32>
    %swap3A_329 = arith.constant 0 : index
    %swap3A_330 = arith.constant 0 : index
    %swap3A_331 = vector.load %arg7[%swap3A_329, %swap3A_330] : memref<8x512xf32, #tpu.memory_space<vmem>>, vector<8x512xf32>
    tpu.vector_store %arg7[%swap3A_329, %swap3A_330], %add3A_328 {strides = array<i32>} : memref<8x512xf32, #tpu.memory_space<vmem>>, vector<8x512xf32>,
    %get3A_332 = arith.constant 0 : index
    %get3A_333 = arith.constant 0 : index
    %get3A_334 = arith.constant 64 : index
    %get3A_335 = arith.constant 0 : index
    %get3A_336 = vector.load %arg2[%get3A_332, %get3A_333, %get3A_334, %get3A_335] : memref<1x17x256x512xf32, #tpu.memory_space<vmem>>, vector<1x17x8x512xf32>
    %get3A_337 = vector.shape_cast %get3A_336 : vector<1x17x8x512xf32> to vector<17x8x512xf32>
    %get3A_338 = arith.constant 0 : index
    %get3A_339 = arith.constant 64 : index
    %get3A_340 = arith.constant 0 : index
    %get3A_341 = vector.load %arg3[%get3A_338, %get3A_339, %get3A_340] : memref<1x256x512xi32, #tpu.memory_space<vmem>>, vector<1x8x512xi32>
    %get3A_342 = vector.shape_cast %get3A_341 : vector<1x8x512xi32> to vector<8x512xi32>
    %mul3A_343 = arith.constant 5.000000e-01 : f32
    %mul3A_344 = vector.broadcast %mul3A_343 : f32 to vector<17x8x512xf32>
    %mul3A_345 = arith.mulf %mul3A_344, %get3A_337 : vector<17x8x512xf32>
    %tanh3A_346 = math.tanh %mul3A_345 : vector<17x8x512xf32>
    %broadcast_in_dim3A_347 = vector.shape_cast %get3A_342 : vector<8x512xi32> to vector<1x8x512xi32>
    %eq3A_348 = vector.broadcast %broadcast_in_dim3A_347 : vector<1x8x512xi32> to vector<17x8x512xi32>
    %eq3A_349 = arith.cmpi eq, %iota3A, %eq3A_348 : vector<17x8x512xi32>
    %jit3A_350 = arith.constant 2.000000e+00 : f32
    %jit3A_351 = arith.constant 0.000000e+00 : f32
    %broadcast_in_dim3A_352 = vector.broadcast %jit3A_350 : f32 to vector<17x8x512xf32>
    %broadcast_in_dim3A_353 = vector.broadcast %jit3A_351 : f32 to vector<17x8x512xf32>
    %select_n3A_354 = arith.select %eq3A_349, %broadcast_in_dim3A_352, %broadcast_in_dim3A_353 : vector<17x8x512xi1>, vector<17x8x512xf32>
    %get3A_355 = arith.constant 0 : index
    %get3A_356 = arith.constant 0 : index
    %get3A_357 = arith.constant 0 : index
    %get3A_358 = vector.load %arg6[%get3A_355, %get3A_356, %get3A_357] : memref<17x8x512xf32, #tpu.memory_space<vmem>>, vector<17x8x512xf32>
    %add3A_359 = arith.addf %get3A_358, %tanh3A_346 : vector<17x8x512xf32>
    %swap3A_360 = arith.constant 0 : index
    %swap3A_361 = arith.constant 0 : index
    %swap3A_362 = arith.constant 0 : index
    %swap3A_363 = vector.load %arg6[%swap3A_360, %swap3A_361, %swap3A_362] : memref<17x8x512xf32, #tpu.memory_space<vmem>>, vector<17x8x512xf32>
    tpu.vector_store %arg6[%swap3A_360, %swap3A_361, %swap3A_362], %add3A_359 {strides = array<i32>} : memref<17x8x512xf32, #tpu.memory_space<vmem>>, vector<17x8x512xf32>,
    %get3A_364 = arith.constant 0 : index
    %get3A_365 = arith.constant 0 : index
    %get3A_366 = vector.load %arg7[%get3A_364, %get3A_365] : memref<8x512xf32, #tpu.memory_space<vmem>>, vector<8x512xf32>
    %mul3A_367 = arith.mulf %tanh3A_346, %select_n3A_354 : vector<17x8x512xf32>
    %reduce_sum3A_368 = arith.constant dense<0.000000e+00> : vector<8x512xf32>
    %reduce_sum3A_369 = vector.multi_reduction <add>, %mul3A_367, %reduce_sum3A_368 [0] : vector<17x8x512xf32> to vector<8x512xf32>
    %add3A_370 = arith.addf %get3A_366, %reduce_sum3A_369 : vector<8x512xf32>
    %swap3A_371 = arith.constant 0 : index
    %swap3A_372 = arith.constant 0 : index
    %swap3A_373 = vector.load %arg7[%swap3A_371, %swap3A_372] : memref<8x512xf32, #tpu.memory_space<vmem>>, vector<8x512xf32>
    tpu.vector_store %arg7[%swap3A_371, %swap3A_372], %add3A_370 {strides = array<i32>} : memref<8x512xf32, #tpu.memory_space<vmem>>, vector<8x512xf32>,
    %get3A_374 = arith.constant 0 : index
    %get3A_375 = arith.constant 0 : index
    %get3A_376 = arith.constant 72 : index
    %get3A_377 = arith.constant 0 : index
    %get3A_378 = vector.load %arg2[%get3A_374, %get3A_375, %get3A_376, %get3A_377] : memref<1x17x256x512xf32, #tpu.memory_space<vmem>>, vector<1x17x8x512xf32>
    %get3A_379 = vector.shape_cast %get3A_378 : vector<1x17x8x512xf32> to vector<17x8x512xf32>
    %get3A_380 = arith.constant 0 : index
    %get3A_381 = arith.constant 72 : index
    %get3A_382 = arith.constant 0 : index
    %get3A_383 = vector.load %arg3[%get3A_380, %get3A_381, %get3A_382] : memref<1x256x512xi32, #tpu.memory_space<vmem>>, vector<1x8x512xi32>
    %get3A_384 = vector.shape_cast %get3A_383 : vector<1x8x512xi32> to vector<8x512xi32>
    %mul3A_385 = arith.constant 5.000000e-01 : f32
    %mul3A_386 = vector.broadcast %mul3A_385 : f32 to vector<17x8x512xf32>
    %mul3A_387 = arith.mulf %mul3A_386, %get3A_379 : vector<17x8x512xf32>
    %tanh3A_388 = math.tanh %mul3A_387 : vector<17x8x512xf32>
    %broadcast_in_dim3A_389 = vector.shape_cast %get3A_384 : vector<8x512xi32> to vector<1x8x512xi32>
    %eq3A_390 = vector.broadcast %broadcast_in_dim3A_389 : vector<1x8x512xi32> to vector<17x8x512xi32>
    %eq3A_391 = arith.cmpi eq, %iota3A, %eq3A_390 : vector<17x8x512xi32>
    %jit3A_392 = arith.constant 2.000000e+00 : f32
    %jit3A_393 = arith.constant 0.000000e+00 : f32
    %broadcast_in_dim3A_394 = vector.broadcast %jit3A_392 : f32 to vector<17x8x512xf32>
    %broadcast_in_dim3A_395 = vector.broadcast %jit3A_393 : f32 to vector<17x8x512xf32>
    %select_n3A_396 = arith.select %eq3A_391, %broadcast_in_dim3A_394, %broadcast_in_dim3A_395 : vector<17x8x512xi1>, vector<17x8x512xf32>
    %get3A_397 = arith.constant 0 : index
    %get3A_398 = arith.constant 0 : index
    %get3A_399 = arith.constant 0 : index
    %get3A_400 = vector.load %arg6[%get3A_397, %get3A_398, %get3A_399] : memref<17x8x512xf32, #tpu.memory_space<vmem>>, vector<17x8x512xf32>
    %add3A_401 = arith.addf %get3A_400, %tanh3A_388 : vector<17x8x512xf32>
    %swap3A_402 = arith.constant 0 : index
    %swap3A_403 = arith.constant 0 : index
    %swap3A_404 = arith.constant 0 : index
    %swap3A_405 = vector.load %arg6[%swap3A_402, %swap3A_403, %swap3A_404] : memref<17x8x512xf32, #tpu.memory_space<vmem>>, vector<17x8x512xf32>
    tpu.vector_store %arg6[%swap3A_402, %swap3A_403, %swap3A_404], %add3A_401 {strides = array<i32>} : memref<17x8x512xf32, #tpu.memory_space<vmem>>, vector<17x8x512xf32>,
    %get3A_406 = arith.constant 0 : index
    %get3A_407 = arith.constant 0 : index
    %get3A_408 = vector.load %arg7[%get3A_406, %get3A_407] : memref<8x512xf32, #tpu.memory_space<vmem>>, vector<8x512xf32>
    %mul3A_409 = arith.mulf %tanh3A_388, %select_n3A_396 : vector<17x8x512xf32>
    %reduce_sum3A_410 = arith.constant dense<0.000000e+00> : vector<8x512xf32>
    %reduce_sum3A_411 = vector.multi_reduction <add>, %mul3A_409, %reduce_sum3A_410 [0] : vector<17x8x512xf32> to vector<8x512xf32>
    %add3A_412 = arith.addf %get3A_408, %reduce_sum3A_411 : vector<8x512xf32>
    %swap3A_413 = arith.constant 0 : index
    %swap3A_414 = arith.constant 0 : index
    %swap3A_415 = vector.load %arg7[%swap3A_413, %swap3A_414] : memref<8x512xf32, #tpu.memory_space<vmem>>, vector<8x512xf32>
    tpu.vector_store %arg7[%swap3A_413, %swap3A_414], %add3A_412 {strides = array<i32>} : memref<8x512xf32, #tpu.memory_space<vmem>>, vector<8x512xf32>,
    %get3A_416 = arith.constant 0 : index
    %get3A_417 = arith.constant 0 : index
    %get3A_418 = arith.constant 80 : index
    %get3A_419 = arith.constant 0 : index
    %get3A_420 = vector.load %arg2[%get3A_416, %get3A_417, %get3A_418, %get3A_419] : memref<1x17x256x512xf32, #tpu.memory_space<vmem>>, vector<1x17x8x512xf32>
    %get3A_421 = vector.shape_cast %get3A_420 : vector<1x17x8x512xf32> to vector<17x8x512xf32>
    %get3A_422 = arith.constant 0 : index
    %get3A_423 = arith.constant 80 : index
    %get3A_424 = arith.constant 0 : index
    %get3A_425 = vector.load %arg3[%get3A_422, %get3A_423, %get3A_424] : memref<1x256x512xi32, #tpu.memory_space<vmem>>, vector<1x8x512xi32>
    %get3A_426 = vector.shape_cast %get3A_425 : vector<1x8x512xi32> to vector<8x512xi32>
    %mul3A_427 = arith.constant 5.000000e-01 : f32
    %mul3A_428 = vector.broadcast %mul3A_427 : f32 to vector<17x8x512xf32>
    %mul3A_429 = arith.mulf %mul3A_428, %get3A_421 : vector<17x8x512xf32>
    %tanh3A_430 = math.tanh %mul3A_429 : vector<17x8x512xf32>
    %broadcast_in_dim3A_431 = vector.shape_cast %get3A_426 : vector<8x512xi32> to vector<1x8x512xi32>
    %eq3A_432 = vector.broadcast %broadcast_in_dim3A_431 : vector<1x8x512xi32> to vector<17x8x512xi32>
    %eq3A_433 = arith.cmpi eq, %iota3A, %eq3A_432 : vector<17x8x512xi32>
    %jit3A_434 = arith.constant 2.000000e+00 : f32
    %jit3A_435 = arith.constant 0.000000e+00 : f32
    %broadcast_in_dim3A_436 = vector.broadcast %jit3A_434 : f32 to vector<17x8x512xf32>
    %broadcast_in_dim3A_437 = vector.broadcast %jit3A_435 : f32 to vector<17x8x512xf32>
    %select_n3A_438 = arith.select %eq3A_433, %broadcast_in_dim3A_436, %broadcast_in_dim3A_437 : vector<17x8x512xi1>, vector<17x8x512xf32>
    %get3A_439 = arith.constant 0 : index
    %get3A_440 = arith.constant 0 : index
    %get3A_441 = arith.constant 0 : index
    %get3A_442 = vector.load %arg6[%get3A_439, %get3A_440, %get3A_441] : memref<17x8x512xf32, #tpu.memory_space<vmem>>, vector<17x8x512xf32>
    %add3A_443 = arith.addf %get3A_442, %tanh3A_430 : vector<17x8x512xf32>
    %swap3A_444 = arith.constant 0 : index
    %swap3A_445 = arith.constant 0 : index
    %swap3A_446 = arith.constant 0 : index
    %swap3A_447 = vector.load %arg6[%swap3A_444, %swap3A_445, %swap3A_446] : memref<17x8x512xf32, #tpu.memory_space<vmem>>, vector<17x8x512xf32>
    tpu.vector_store %arg6[%swap3A_444, %swap3A_445, %swap3A_446], %add3A_443 {strides = array<i32>} : memref<17x8x512xf32, #tpu.memory_space<vmem>>, vector<17x8x512xf32>,
    %get3A_448 = arith.constant 0 : index
    %get3A_449 = arith.constant 0 : index
    %get3A_450 = vector.load %arg7[%get3A_448, %get3A_449] : memref<8x512xf32, #tpu.memory_space<vmem>>, vector<8x512xf32>
    %mul3A_451 = arith.mulf %tanh3A_430, %select_n3A_438 : vector<17x8x512xf32>
    %reduce_sum3A_452 = arith.constant dense<0.000000e+00> : vector<8x512xf32>
    %reduce_sum3A_453 = vector.multi_reduction <add>, %mul3A_451, %reduce_sum3A_452 [0] : vector<17x8x512xf32> to vector<8x512xf32>
    %add3A_454 = arith.addf %get3A_450, %reduce_sum3A_453 : vector<8x512xf32>
    %swap3A_455 = arith.constant 0 : index
    %swap3A_456 = arith.constant 0 : index
    %swap3A_457 = vector.load %arg7[%swap3A_455, %swap3A_456] : memref<8x512xf32, #tpu.memory_space<vmem>>, vector<8x512xf32>
    tpu.vector_store %arg7[%swap3A_455, %swap3A_456], %add3A_454 {strides = array<i32>} : memref<8x512xf32, #tpu.memory_space<vmem>>, vector<8x512xf32>,
    %get3A_458 = arith.constant 0 : index
    %get3A_459 = arith.constant 0 : index
    %get3A_460 = arith.constant 88 : index
    %get3A_461 = arith.constant 0 : index
    %get3A_462 = vector.load %arg2[%get3A_458, %get3A_459, %get3A_460, %get3A_461] : memref<1x17x256x512xf32, #tpu.memory_space<vmem>>, vector<1x17x8x512xf32>
    %get3A_463 = vector.shape_cast %get3A_462 : vector<1x17x8x512xf32> to vector<17x8x512xf32>
    %get3A_464 = arith.constant 0 : index
    %get3A_465 = arith.constant 88 : index
    %get3A_466 = arith.constant 0 : index
    %get3A_467 = vector.load %arg3[%get3A_464, %get3A_465, %get3A_466] : memref<1x256x512xi32, #tpu.memory_space<vmem>>, vector<1x8x512xi32>
    %get3A_468 = vector.shape_cast %get3A_467 : vector<1x8x512xi32> to vector<8x512xi32>
    %mul3A_469 = arith.constant 5.000000e-01 : f32
    %mul3A_470 = vector.broadcast %mul3A_469 : f32 to vector<17x8x512xf32>
    %mul3A_471 = arith.mulf %mul3A_470, %get3A_463 : vector<17x8x512xf32>
    %tanh3A_472 = math.tanh %mul3A_471 : vector<17x8x512xf32>
    %broadcast_in_dim3A_473 = vector.shape_cast %get3A_468 : vector<8x512xi32> to vector<1x8x512xi32>
    %eq3A_474 = vector.broadcast %broadcast_in_dim3A_473 : vector<1x8x512xi32> to vector<17x8x512xi32>
    %eq3A_475 = arith.cmpi eq, %iota3A, %eq3A_474 : vector<17x8x512xi32>
    %jit3A_476 = arith.constant 2.000000e+00 : f32
    %jit3A_477 = arith.constant 0.000000e+00 : f32
    %broadcast_in_dim3A_478 = vector.broadcast %jit3A_476 : f32 to vector<17x8x512xf32>
    %broadcast_in_dim3A_479 = vector.broadcast %jit3A_477 : f32 to vector<17x8x512xf32>
    %select_n3A_480 = arith.select %eq3A_475, %broadcast_in_dim3A_478, %broadcast_in_dim3A_479 : vector<17x8x512xi1>, vector<17x8x512xf32>
    %get3A_481 = arith.constant 0 : index
    %get3A_482 = arith.constant 0 : index
    %get3A_483 = arith.constant 0 : index
    %get3A_484 = vector.load %arg6[%get3A_481, %get3A_482, %get3A_483] : memref<17x8x512xf32, #tpu.memory_space<vmem>>, vector<17x8x512xf32>
    %add3A_485 = arith.addf %get3A_484, %tanh3A_472 : vector<17x8x512xf32>
    %swap3A_486 = arith.constant 0 : index
    %swap3A_487 = arith.constant 0 : index
    %swap3A_488 = arith.constant 0 : index
    %swap3A_489 = vector.load %arg6[%swap3A_486, %swap3A_487, %swap3A_488] : memref<17x8x512xf32, #tpu.memory_space<vmem>>, vector<17x8x512xf32>
    tpu.vector_store %arg6[%swap3A_486, %swap3A_487, %swap3A_488], %add3A_485 {strides = array<i32>} : memref<17x8x512xf32, #tpu.memory_space<vmem>>, vector<17x8x512xf32>,
    %get3A_490 = arith.constant 0 : index
    %get3A_491 = arith.constant 0 : index
    %get3A_492 = vector.load %arg7[%get3A_490, %get3A_491] : memref<8x512xf32, #tpu.memory_space<vmem>>, vector<8x512xf32>
    %mul3A_493 = arith.mulf %tanh3A_472, %select_n3A_480 : vector<17x8x512xf32>
    %reduce_sum3A_494 = arith.constant dense<0.000000e+00> : vector<8x512xf32>
    %reduce_sum3A_495 = vector.multi_reduction <add>, %mul3A_493, %reduce_sum3A_494 [0] : vector<17x8x512xf32> to vector<8x512xf32>
    %add3A_496 = arith.addf %get3A_492, %reduce_sum3A_495 : vector<8x512xf32>
    %swap3A_497 = arith.constant 0 : index
    %swap3A_498 = arith.constant 0 : index
    %swap3A_499 = vector.load %arg7[%swap3A_497, %swap3A_498] : memref<8x512xf32, #tpu.memory_space<vmem>>, vector<8x512xf32>
    tpu.vector_store %arg7[%swap3A_497, %swap3A_498], %add3A_496 {strides = array<i32>} : memref<8x512xf32, #tpu.memory_space<vmem>>, vector<8x512xf32>,
    %get3A_500 = arith.constant 0 : index
    %get3A_501 = arith.constant 0 : index
    %get3A_502 = arith.constant 96 : index
    %get3A_503 = arith.constant 0 : index
    %get3A_504 = vector.load %arg2[%get3A_500, %get3A_501, %get3A_502, %get3A_503] : memref<1x17x256x512xf32, #tpu.memory_space<vmem>>, vector<1x17x8x512xf32>
    %get3A_505 = vector.shape_cast %get3A_504 : vector<1x17x8x512xf32> to vector<17x8x512xf32>
    %get3A_506 = arith.constant 0 : index
    %get3A_507 = arith.constant 96 : index
    %get3A_508 = arith.constant 0 : index
    %get3A_509 = vector.load %arg3[%get3A_506, %get3A_507, %get3A_508] : memref<1x256x512xi32, #tpu.memory_space<vmem>>, vector<1x8x512xi32>
    %get3A_510 = vector.shape_cast %get3A_509 : vector<1x8x512xi32> to vector<8x512xi32>
    %mul3A_511 = arith.constant 5.000000e-01 : f32
    %mul3A_512 = vector.broadcast %mul3A_511 : f32 to vector<17x8x512xf32>
    %mul3A_513 = arith.mulf %mul3A_512, %get3A_505 : vector<17x8x512xf32>
    %tanh3A_514 = math.tanh %mul3A_513 : vector<17x8x512xf32>
    %broadcast_in_dim3A_515 = vector.shape_cast %get3A_510 : vector<8x512xi32> to vector<1x8x512xi32>
    %eq3A_516 = vector.broadcast %broadcast_in_dim3A_515 : vector<1x8x512xi32> to vector<17x8x512xi32>
    %eq3A_517 = arith.cmpi eq, %iota3A, %eq3A_516 : vector<17x8x512xi32>
    %jit3A_518 = arith.constant 2.000000e+00 : f32
    %jit3A_519 = arith.constant 0.000000e+00 : f32
    %broadcast_in_dim3A_520 = vector.broadcast %jit3A_518 : f32 to vector<17x8x512xf32>
    %broadcast_in_dim3A_521 = vector.broadcast %jit3A_519 : f32 to vector<17x8x512xf32>
    %select_n3A_522 = arith.select %eq3A_517, %broadcast_in_dim3A_520, %broadcast_in_dim3A_521 : vector<17x8x512xi1>, vector<17x8x512xf32>
    %get3A_523 = arith.constant 0 : index
    %get3A_524 = arith.constant 0 : index
    %get3A_525 = arith.constant 0 : index
    %get3A_526 = vector.load %arg6[%get3A_523, %get3A_524, %get3A_525] : memref<17x8x512xf32, #tpu.memory_space<vmem>>, vector<17x8x512xf32>
    %add3A_527 = arith.addf %get3A_526, %tanh3A_514 : vector<17x8x512xf32>
    %swap3A_528 = arith.constant 0 : index
    %swap3A_529 = arith.constant 0 : index
    %swap3A_530 = arith.constant 0 : index
    %swap3A_531 = vector.load %arg6[%swap3A_528, %swap3A_529, %swap3A_530] : memref<17x8x512xf32, #tpu.memory_space<vmem>>, vector<17x8x512xf32>
    tpu.vector_store %arg6[%swap3A_528, %swap3A_529, %swap3A_530], %add3A_527 {strides = array<i32>} : memref<17x8x512xf32, #tpu.memory_space<vmem>>, vector<17x8x512xf32>,
    %get3A_532 = arith.constant 0 : index
    %get3A_533 = arith.constant 0 : index
    %get3A_534 = vector.load %arg7[%get3A_532, %get3A_533] : memref<8x512xf32, #tpu.memory_space<vmem>>, vector<8x512xf32>
    %mul3A_535 = arith.mulf %tanh3A_514, %select_n3A_522 : vector<17x8x512xf32>
    %reduce_sum3A_536 = arith.constant dense<0.000000e+00> : vector<8x512xf32>
    %reduce_sum3A_537 = vector.multi_reduction <add>, %mul3A_535, %reduce_sum3A_536 [0] : vector<17x8x512xf32> to vector<8x512xf32>
    %add3A_538 = arith.addf %get3A_534, %reduce_sum3A_537 : vector<8x512xf32>
    %swap3A_539 = arith.constant 0 : index
    %swap3A_540 = arith.constant 0 : index
    %swap3A_541 = vector.load %arg7[%swap3A_539, %swap3A_540] : memref<8x512xf32, #tpu.memory_space<vmem>>, vector<8x512xf32>
    tpu.vector_store %arg7[%swap3A_539, %swap3A_540], %add3A_538 {strides = array<i32>} : memref<8x512xf32, #tpu.memory_space<vmem>>, vector<8x512xf32>,
    %get3A_542 = arith.constant 0 : index
    %get3A_543 = arith.constant 0 : index
    %get3A_544 = arith.constant 104 : index
    %get3A_545 = arith.constant 0 : index
    %get3A_546 = vector.load %arg2[%get3A_542, %get3A_543, %get3A_544, %get3A_545] : memref<1x17x256x512xf32, #tpu.memory_space<vmem>>, vector<1x17x8x512xf32>
    %get3A_547 = vector.shape_cast %get3A_546 : vector<1x17x8x512xf32> to vector<17x8x512xf32>
    %get3A_548 = arith.constant 0 : index
    %get3A_549 = arith.constant 104 : index
    %get3A_550 = arith.constant 0 : index
    %get3A_551 = vector.load %arg3[%get3A_548, %get3A_549, %get3A_550] : memref<1x256x512xi32, #tpu.memory_space<vmem>>, vector<1x8x512xi32>
    %get3A_552 = vector.shape_cast %get3A_551 : vector<1x8x512xi32> to vector<8x512xi32>
    %mul3A_553 = arith.constant 5.000000e-01 : f32
    %mul3A_554 = vector.broadcast %mul3A_553 : f32 to vector<17x8x512xf32>
    %mul3A_555 = arith.mulf %mul3A_554, %get3A_547 : vector<17x8x512xf32>
    %tanh3A_556 = math.tanh %mul3A_555 : vector<17x8x512xf32>
    %broadcast_in_dim3A_557 = vector.shape_cast %get3A_552 : vector<8x512xi32> to vector<1x8x512xi32>
    %eq3A_558 = vector.broadcast %broadcast_in_dim3A_557 : vector<1x8x512xi32> to vector<17x8x512xi32>
    %eq3A_559 = arith.cmpi eq, %iota3A, %eq3A_558 : vector<17x8x512xi32>
    %jit3A_560 = arith.constant 2.000000e+00 : f32
    %jit3A_561 = arith.constant 0.000000e+00 : f32
    %broadcast_in_dim3A_562 = vector.broadcast %jit3A_560 : f32 to vector<17x8x512xf32>
    %broadcast_in_dim3A_563 = vector.broadcast %jit3A_561 : f32 to vector<17x8x512xf32>
    %select_n3A_564 = arith.select %eq3A_559, %broadcast_in_dim3A_562, %broadcast_in_dim3A_563 : vector<17x8x512xi1>, vector<17x8x512xf32>
    %get3A_565 = arith.constant 0 : index
    %get3A_566 = arith.constant 0 : index
    %get3A_567 = arith.constant 0 : index
    %get3A_568 = vector.load %arg6[%get3A_565, %get3A_566, %get3A_567] : memref<17x8x512xf32, #tpu.memory_space<vmem>>, vector<17x8x512xf32>
    %add3A_569 = arith.addf %get3A_568, %tanh3A_556 : vector<17x8x512xf32>
    %swap3A_570 = arith.constant 0 : index
    %swap3A_571 = arith.constant 0 : index
    %swap3A_572 = arith.constant 0 : index
    %swap3A_573 = vector.load %arg6[%swap3A_570, %swap3A_571, %swap3A_572] : memref<17x8x512xf32, #tpu.memory_space<vmem>>, vector<17x8x512xf32>
    tpu.vector_store %arg6[%swap3A_570, %swap3A_571, %swap3A_572], %add3A_569 {strides = array<i32>} : memref<17x8x512xf32, #tpu.memory_space<vmem>>, vector<17x8x512xf32>,
    %get3A_574 = arith.constant 0 : index
    %get3A_575 = arith.constant 0 : index
    %get3A_576 = vector.load %arg7[%get3A_574, %get3A_575] : memref<8x512xf32, #tpu.memory_space<vmem>>, vector<8x512xf32>
    %mul3A_577 = arith.mulf %tanh3A_556, %select_n3A_564 : vector<17x8x512xf32>
    %reduce_sum3A_578 = arith.constant dense<0.000000e+00> : vector<8x512xf32>
    %reduce_sum3A_579 = vector.multi_reduction <add>, %mul3A_577, %reduce_sum3A_578 [0] : vector<17x8x512xf32> to vector<8x512xf32>
    %add3A_580 = arith.addf %get3A_576, %reduce_sum3A_579 : vector<8x512xf32>
    %swap3A_581 = arith.constant 0 : index
    %swap3A_582 = arith.constant 0 : index
    %swap3A_583 = vector.load %arg7[%swap3A_581, %swap3A_582] : memref<8x512xf32, #tpu.memory_space<vmem>>, vector<8x512xf32>
    tpu.vector_store %arg7[%swap3A_581, %swap3A_582], %add3A_580 {strides = array<i32>} : memref<8x512xf32, #tpu.memory_space<vmem>>, vector<8x512xf32>,
    %get3A_584 = arith.constant 0 : index
    %get3A_585 = arith.constant 0 : index
    %get3A_586 = arith.constant 112 : index
    %get3A_587 = arith.constant 0 : index
    %get3A_588 = vector.load %arg2[%get3A_584, %get3A_585, %get3A_586, %get3A_587] : memref<1x17x256x512xf32, #tpu.memory_space<vmem>>, vector<1x17x8x512xf32>
    %get3A_589 = vector.shape_cast %get3A_588 : vector<1x17x8x512xf32> to vector<17x8x512xf32>
    %get3A_590 = arith.constant 0 : index
    %get3A_591 = arith.constant 112 : index
    %get3A_592 = arith.constant 0 : index
    %get3A_593 = vector.load %arg3[%get3A_590, %get3A_591, %get3A_592] : memref<1x256x512xi32, #tpu.memory_space<vmem>>, vector<1x8x512xi32>
    %get3A_594 = vector.shape_cast %get3A_593 : vector<1x8x512xi32> to vector<8x512xi32>
    %mul3A_595 = arith.constant 5.000000e-01 : f32
    %mul3A_596 = vector.broadcast %mul3A_595 : f32 to vector<17x8x512xf32>
    %mul3A_597 = arith.mulf %mul3A_596, %get3A_589 : vector<17x8x512xf32>
    %tanh3A_598 = math.tanh %mul3A_597 : vector<17x8x512xf32>
    %broadcast_in_dim3A_599 = vector.shape_cast %get3A_594 : vector<8x512xi32> to vector<1x8x512xi32>
    %eq3A_600 = vector.broadcast %broadcast_in_dim3A_599 : vector<1x8x512xi32> to vector<17x8x512xi32>
    %eq3A_601 = arith.cmpi eq, %iota3A, %eq3A_600 : vector<17x8x512xi32>
    %jit3A_602 = arith.constant 2.000000e+00 : f32
    %jit3A_603 = arith.constant 0.000000e+00 : f32
    %broadcast_in_dim3A_604 = vector.broadcast %jit3A_602 : f32 to vector<17x8x512xf32>
    %broadcast_in_dim3A_605 = vector.broadcast %jit3A_603 : f32 to vector<17x8x512xf32>
    %select_n3A_606 = arith.select %eq3A_601, %broadcast_in_dim3A_604, %broadcast_in_dim3A_605 : vector<17x8x512xi1>, vector<17x8x512xf32>
    %get3A_607 = arith.constant 0 : index
    %get3A_608 = arith.constant 0 : index
    %get3A_609 = arith.constant 0 : index
    %get3A_610 = vector.load %arg6[%get3A_607, %get3A_608, %get3A_609] : memref<17x8x512xf32, #tpu.memory_space<vmem>>, vector<17x8x512xf32>
    %add3A_611 = arith.addf %get3A_610, %tanh3A_598 : vector<17x8x512xf32>
    %swap3A_612 = arith.constant 0 : index
    %swap3A_613 = arith.constant 0 : index
    %swap3A_614 = arith.constant 0 : index
    %swap3A_615 = vector.load %arg6[%swap3A_612, %swap3A_613, %swap3A_614] : memref<17x8x512xf32, #tpu.memory_space<vmem>>, vector<17x8x512xf32>
    tpu.vector_store %arg6[%swap3A_612, %swap3A_613, %swap3A_614], %add3A_611 {strides = array<i32>} : memref<17x8x512xf32, #tpu.memory_space<vmem>>, vector<17x8x512xf32>,
    %get3A_616 = arith.constant 0 : index
    %get3A_617 = arith.constant 0 : index
    %get3A_618 = vector.load %arg7[%get3A_616, %get3A_617] : memref<8x512xf32, #tpu.memory_space<vmem>>, vector<8x512xf32>
    %mul3A_619 = arith.mulf %tanh3A_598, %select_n3A_606 : vector<17x8x512xf32>
    %reduce_sum3A_620 = arith.constant dense<0.000000e+00> : vector<8x512xf32>
    %reduce_sum3A_621 = vector.multi_reduction <add>, %mul3A_619, %reduce_sum3A_620 [0] : vector<17x8x512xf32> to vector<8x512xf32>
    %add3A_622 = arith.addf %get3A_618, %reduce_sum3A_621 : vector<8x512xf32>
    %swap3A_623 = arith.constant 0 : index
    %swap3A_624 = arith.constant 0 : index
    %swap3A_625 = vector.load %arg7[%swap3A_623, %swap3A_624] : memref<8x512xf32, #tpu.memory_space<vmem>>, vector<8x512xf32>
    tpu.vector_store %arg7[%swap3A_623, %swap3A_624], %add3A_622 {strides = array<i32>} : memref<8x512xf32, #tpu.memory_space<vmem>>, vector<8x512xf32>,
    %get3A_626 = arith.constant 0 : index
    %get3A_627 = arith.constant 0 : index
    %get3A_628 = arith.constant 120 : index
    %get3A_629 = arith.constant 0 : index
    %get3A_630 = vector.load %arg2[%get3A_626, %get3A_627, %get3A_628, %get3A_629] : memref<1x17x256x512xf32, #tpu.memory_space<vmem>>, vector<1x17x8x512xf32>
    %get3A_631 = vector.shape_cast %get3A_630 : vector<1x17x8x512xf32> to vector<17x8x512xf32>
    %get3A_632 = arith.constant 0 : index
    %get3A_633 = arith.constant 120 : index
    %get3A_634 = arith.constant 0 : index
    %get3A_635 = vector.load %arg3[%get3A_632, %get3A_633, %get3A_634] : memref<1x256x512xi32, #tpu.memory_space<vmem>>, vector<1x8x512xi32>
    %get3A_636 = vector.shape_cast %get3A_635 : vector<1x8x512xi32> to vector<8x512xi32>
    %mul3A_637 = arith.constant 5.000000e-01 : f32
    %mul3A_638 = vector.broadcast %mul3A_637 : f32 to vector<17x8x512xf32>
    %mul3A_639 = arith.mulf %mul3A_638, %get3A_631 : vector<17x8x512xf32>
    %tanh3A_640 = math.tanh %mul3A_639 : vector<17x8x512xf32>
    %broadcast_in_dim3A_641 = vector.shape_cast %get3A_636 : vector<8x512xi32> to vector<1x8x512xi32>
    %eq3A_642 = vector.broadcast %broadcast_in_dim3A_641 : vector<1x8x512xi32> to vector<17x8x512xi32>
    %eq3A_643 = arith.cmpi eq, %iota3A, %eq3A_642 : vector<17x8x512xi32>
    %jit3A_644 = arith.constant 2.000000e+00 : f32
    %jit3A_645 = arith.constant 0.000000e+00 : f32
    %broadcast_in_dim3A_646 = vector.broadcast %jit3A_644 : f32 to vector<17x8x512xf32>
    %broadcast_in_dim3A_647 = vector.broadcast %jit3A_645 : f32 to vector<17x8x512xf32>
    %select_n3A_648 = arith.select %eq3A_643, %broadcast_in_dim3A_646, %broadcast_in_dim3A_647 : vector<17x8x512xi1>, vector<17x8x512xf32>
    %get3A_649 = arith.constant 0 : index
    %get3A_650 = arith.constant 0 : index
    %get3A_651 = arith.constant 0 : index
    %get3A_652 = vector.load %arg6[%get3A_649, %get3A_650, %get3A_651] : memref<17x8x512xf32, #tpu.memory_space<vmem>>, vector<17x8x512xf32>
    %add3A_653 = arith.addf %get3A_652, %tanh3A_640 : vector<17x8x512xf32>
    %swap3A_654 = arith.constant 0 : index
    %swap3A_655 = arith.constant 0 : index
    %swap3A_656 = arith.constant 0 : index
    %swap3A_657 = vector.load %arg6[%swap3A_654, %swap3A_655, %swap3A_656] : memref<17x8x512xf32, #tpu.memory_space<vmem>>, vector<17x8x512xf32>
    tpu.vector_store %arg6[%swap3A_654, %swap3A_655, %swap3A_656], %add3A_653 {strides = array<i32>} : memref<17x8x512xf32, #tpu.memory_space<vmem>>, vector<17x8x512xf32>,
    %get3A_658 = arith.constant 0 : index
    %get3A_659 = arith.constant 0 : index
    %get3A_660 = vector.load %arg7[%get3A_658, %get3A_659] : memref<8x512xf32, #tpu.memory_space<vmem>>, vector<8x512xf32>
    %mul3A_661 = arith.mulf %tanh3A_640, %select_n3A_648 : vector<17x8x512xf32>
    %reduce_sum3A_662 = arith.constant dense<0.000000e+00> : vector<8x512xf32>
    %reduce_sum3A_663 = vector.multi_reduction <add>, %mul3A_661, %reduce_sum3A_662 [0] : vector<17x8x512xf32> to vector<8x512xf32>
    %add3A_664 = arith.addf %get3A_660, %reduce_sum3A_663 : vector<8x512xf32>
    %swap3A_665 = arith.constant 0 : index
    %swap3A_666 = arith.constant 0 : index
    %swap3A_667 = vector.load %arg7[%swap3A_665, %swap3A_666] : memref<8x512xf32, #tpu.memory_space<vmem>>, vector<8x512xf32>
    tpu.vector_store %arg7[%swap3A_665, %swap3A_666], %add3A_664 {strides = array<i32>} : memref<8x512xf32, #tpu.memory_space<vmem>>, vector<8x512xf32>,
    %get3A_668 = arith.constant 0 : index
    %get3A_669 = arith.constant 0 : index
    %get3A_670 = arith.constant 128 : index
    %get3A_671 = arith.constant 0 : index
    %get3A_672 = vector.load %arg2[%get3A_668, %get3A_669, %get3A_670, %get3A_671] : memref<1x17x256x512xf32, #tpu.memory_space<vmem>>, vector<1x17x8x512xf32>
    %get3A_673 = vector.shape_cast %get3A_672 : vector<1x17x8x512xf32> to vector<17x8x512xf32>
    %get3A_674 = arith.constant 0 : index
    %get3A_675 = arith.constant 128 : index
    %get3A_676 = arith.constant 0 : index
    %get3A_677 = vector.load %arg3[%get3A_674, %get3A_675, %get3A_676] : memref<1x256x512xi32, #tpu.memory_space<vmem>>, vector<1x8x512xi32>
    %get3A_678 = vector.shape_cast %get3A_677 : vector<1x8x512xi32> to vector<8x512xi32>
    %mul3A_679 = arith.constant 5.000000e-01 : f32
    %mul3A_680 = vector.broadcast %mul3A_679 : f32 to vector<17x8x512xf32>
    %mul3A_681 = arith.mulf %mul3A_680, %get3A_673 : vector<17x8x512xf32>
    %tanh3A_682 = math.tanh %mul3A_681 : vector<17x8x512xf32>
    %broadcast_in_dim3A_683 = vector.shape_cast %get3A_678 : vector<8x512xi32> to vector<1x8x512xi32>
    %eq3A_684 = vector.broadcast %broadcast_in_dim3A_683 : vector<1x8x512xi32> to vector<17x8x512xi32>
    %eq3A_685 = arith.cmpi eq, %iota3A, %eq3A_684 : vector<17x8x512xi32>
    %jit3A_686 = arith.constant 2.000000e+00 : f32
    %jit3A_687 = arith.constant 0.000000e+00 : f32
    %broadcast_in_dim3A_688 = vector.broadcast %jit3A_686 : f32 to vector<17x8x512xf32>
    %broadcast_in_dim3A_689 = vector.broadcast %jit3A_687 : f32 to vector<17x8x512xf32>
    %select_n3A_690 = arith.select %eq3A_685, %broadcast_in_dim3A_688, %broadcast_in_dim3A_689 : vector<17x8x512xi1>, vector<17x8x512xf32>
    %get3A_691 = arith.constant 0 : index
    %get3A_692 = arith.constant 0 : index
    %get3A_693 = arith.constant 0 : index
    %get3A_694 = vector.load %arg6[%get3A_691, %get3A_692, %get3A_693] : memref<17x8x512xf32, #tpu.memory_space<vmem>>, vector<17x8x512xf32>
    %add3A_695 = arith.addf %get3A_694, %tanh3A_682 : vector<17x8x512xf32>
    %swap3A_696 = arith.constant 0 : index
    %swap3A_697 = arith.constant 0 : index
    %swap3A_698 = arith.constant 0 : index
    %swap3A_699 = vector.load %arg6[%swap3A_696, %swap3A_697, %swap3A_698] : memref<17x8x512xf32, #tpu.memory_space<vmem>>, vector<17x8x512xf32>
    tpu.vector_store %arg6[%swap3A_696, %swap3A_697, %swap3A_698], %add3A_695 {strides = array<i32>} : memref<17x8x512xf32, #tpu.memory_space<vmem>>, vector<17x8x512xf32>,
    %get3A_700 = arith.constant 0 : index
    %get3A_701 = arith.constant 0 : index
    %get3A_702 = vector.load %arg7[%get3A_700, %get3A_701] : memref<8x512xf32, #tpu.memory_space<vmem>>, vector<8x512xf32>
    %mul3A_703 = arith.mulf %tanh3A_682, %select_n3A_690 : vector<17x8x512xf32>
    %reduce_sum3A_704 = arith.constant dense<0.000000e+00> : vector<8x512xf32>
    %reduce_sum3A_705 = vector.multi_reduction <add>, %mul3A_703, %reduce_sum3A_704 [0] : vector<17x8x512xf32> to vector<8x512xf32>
    %add3A_706 = arith.addf %get3A_702, %reduce_sum3A_705 : vector<8x512xf32>
    %swap3A_707 = arith.constant 0 : index
    %swap3A_708 = arith.constant 0 : index
    %swap3A_709 = vector.load %arg7[%swap3A_707, %swap3A_708] : memref<8x512xf32, #tpu.memory_space<vmem>>, vector<8x512xf32>
    tpu.vector_store %arg7[%swap3A_707, %swap3A_708], %add3A_706 {strides = array<i32>} : memref<8x512xf32, #tpu.memory_space<vmem>>, vector<8x512xf32>,
    %get3A_710 = arith.constant 0 : index
    %get3A_711 = arith.constant 0 : index
    %get3A_712 = arith.constant 136 : index
    %get3A_713 = arith.constant 0 : index
    %get3A_714 = vector.load %arg2[%get3A_710, %get3A_711, %get3A_712, %get3A_713] : memref<1x17x256x512xf32, #tpu.memory_space<vmem>>, vector<1x17x8x512xf32>
    %get3A_715 = vector.shape_cast %get3A_714 : vector<1x17x8x512xf32> to vector<17x8x512xf32>
    %get3A_716 = arith.constant 0 : index
    %get3A_717 = arith.constant 136 : index
    %get3A_718 = arith.constant 0 : index
    %get3A_719 = vector.load %arg3[%get3A_716, %get3A_717, %get3A_718] : memref<1x256x512xi32, #tpu.memory_space<vmem>>, vector<1x8x512xi32>
    %get3A_720 = vector.shape_cast %get3A_719 : vector<1x8x512xi32> to vector<8x512xi32>
    %mul3A_721 = arith.constant 5.000000e-01 : f32
    %mul3A_722 = vector.broadcast %mul3A_721 : f32 to vector<17x8x512xf32>
    %mul3A_723 = arith.mulf %mul3A_722, %get3A_715 : vector<17x8x512xf32>
    %tanh3A_724 = math.tanh %mul3A_723 : vector<17x8x512xf32>
    %broadcast_in_dim3A_725 = vector.shape_cast %get3A_720 : vector<8x512xi32> to vector<1x8x512xi32>
    %eq3A_726 = vector.broadcast %broadcast_in_dim3A_725 : vector<1x8x512xi32> to vector<17x8x512xi32>
    %eq3A_727 = arith.cmpi eq, %iota3A, %eq3A_726 : vector<17x8x512xi32>
    %jit3A_728 = arith.constant 2.000000e+00 : f32
    %jit3A_729 = arith.constant 0.000000e+00 : f32
    %broadcast_in_dim3A_730 = vector.broadcast %jit3A_728 : f32 to vector<17x8x512xf32>
    %broadcast_in_dim3A_731 = vector.broadcast %jit3A_729 : f32 to vector<17x8x512xf32>
    %select_n3A_732 = arith.select %eq3A_727, %broadcast_in_dim3A_730, %broadcast_in_dim3A_731 : vector<17x8x512xi1>, vector<17x8x512xf32>
    %get3A_733 = arith.constant 0 : index
    %get3A_734 = arith.constant 0 : index
    %get3A_735 = arith.constant 0 : index
    %get3A_736 = vector.load %arg6[%get3A_733, %get3A_734, %get3A_735] : memref<17x8x512xf32, #tpu.memory_space<vmem>>, vector<17x8x512xf32>
    %add3A_737 = arith.addf %get3A_736, %tanh3A_724 : vector<17x8x512xf32>
    %swap3A_738 = arith.constant 0 : index
    %swap3A_739 = arith.constant 0 : index
    %swap3A_740 = arith.constant 0 : index
    %swap3A_741 = vector.load %arg6[%swap3A_738, %swap3A_739, %swap3A_740] : memref<17x8x512xf32, #tpu.memory_space<vmem>>, vector<17x8x512xf32>
    tpu.vector_store %arg6[%swap3A_738, %swap3A_739, %swap3A_740], %add3A_737 {strides = array<i32>} : memref<17x8x512xf32, #tpu.memory_space<vmem>>, vector<17x8x512xf32>,
    %get3A_742 = arith.constant 0 : index
    %get3A_743 = arith.constant 0 : index
    %get3A_744 = vector.load %arg7[%get3A_742, %get3A_743] : memref<8x512xf32, #tpu.memory_space<vmem>>, vector<8x512xf32>
    %mul3A_745 = arith.mulf %tanh3A_724, %select_n3A_732 : vector<17x8x512xf32>
    %reduce_sum3A_746 = arith.constant dense<0.000000e+00> : vector<8x512xf32>
    %reduce_sum3A_747 = vector.multi_reduction <add>, %mul3A_745, %reduce_sum3A_746 [0] : vector<17x8x512xf32> to vector<8x512xf32>
    %add3A_748 = arith.addf %get3A_744, %reduce_sum3A_747 : vector<8x512xf32>
    %swap3A_749 = arith.constant 0 : index
    %swap3A_750 = arith.constant 0 : index
    %swap3A_751 = vector.load %arg7[%swap3A_749, %swap3A_750] : memref<8x512xf32, #tpu.memory_space<vmem>>, vector<8x512xf32>
    tpu.vector_store %arg7[%swap3A_749, %swap3A_750], %add3A_748 {strides = array<i32>} : memref<8x512xf32, #tpu.memory_space<vmem>>, vector<8x512xf32>,
    %get3A_752 = arith.constant 0 : index
    %get3A_753 = arith.constant 0 : index
    %get3A_754 = arith.constant 144 : index
    %get3A_755 = arith.constant 0 : index
    %get3A_756 = vector.load %arg2[%get3A_752, %get3A_753, %get3A_754, %get3A_755] : memref<1x17x256x512xf32, #tpu.memory_space<vmem>>, vector<1x17x8x512xf32>
    %get3A_757 = vector.shape_cast %get3A_756 : vector<1x17x8x512xf32> to vector<17x8x512xf32>
    %get3A_758 = arith.constant 0 : index
    %get3A_759 = arith.constant 144 : index
    %get3A_760 = arith.constant 0 : index
    %get3A_761 = vector.load %arg3[%get3A_758, %get3A_759, %get3A_760] : memref<1x256x512xi32, #tpu.memory_space<vmem>>, vector<1x8x512xi32>
    %get3A_762 = vector.shape_cast %get3A_761 : vector<1x8x512xi32> to vector<8x512xi32>
    %mul3A_763 = arith.constant 5.000000e-01 : f32
    %mul3A_764 = vector.broadcast %mul3A_763 : f32 to vector<17x8x512xf32>
    %mul3A_765 = arith.mulf %mul3A_764, %get3A_757 : vector<17x8x512xf32>
    %tanh3A_766 = math.tanh %mul3A_765 : vector<17x8x512xf32>
    %broadcast_in_dim3A_767 = vector.shape_cast %get3A_762 : vector<8x512xi32> to vector<1x8x512xi32>
    %eq3A_768 = vector.broadcast %broadcast_in_dim3A_767 : vector<1x8x512xi32> to vector<17x8x512xi32>
    %eq3A_769 = arith.cmpi eq, %iota3A, %eq3A_768 : vector<17x8x512xi32>
    %jit3A_770 = arith.constant 2.000000e+00 : f32
    %jit3A_771 = arith.constant 0.000000e+00 : f32
    %broadcast_in_dim3A_772 = vector.broadcast %jit3A_770 : f32 to vector<17x8x512xf32>
    %broadcast_in_dim3A_773 = vector.broadcast %jit3A_771 : f32 to vector<17x8x512xf32>
    %select_n3A_774 = arith.select %eq3A_769, %broadcast_in_dim3A_772, %broadcast_in_dim3A_773 : vector<17x8x512xi1>, vector<17x8x512xf32>
    %get3A_775 = arith.constant 0 : index
    %get3A_776 = arith.constant 0 : index
    %get3A_777 = arith.constant 0 : index
    %get3A_778 = vector.load %arg6[%get3A_775, %get3A_776, %get3A_777] : memref<17x8x512xf32, #tpu.memory_space<vmem>>, vector<17x8x512xf32>
    %add3A_779 = arith.addf %get3A_778, %tanh3A_766 : vector<17x8x512xf32>
    %swap3A_780 = arith.constant 0 : index
    %swap3A_781 = arith.constant 0 : index
    %swap3A_782 = arith.constant 0 : index
    %swap3A_783 = vector.load %arg6[%swap3A_780, %swap3A_781, %swap3A_782] : memref<17x8x512xf32, #tpu.memory_space<vmem>>, vector<17x8x512xf32>
    tpu.vector_store %arg6[%swap3A_780, %swap3A_781, %swap3A_782], %add3A_779 {strides = array<i32>} : memref<17x8x512xf32, #tpu.memory_space<vmem>>, vector<17x8x512xf32>,
    %get3A_784 = arith.constant 0 : index
    %get3A_785 = arith.constant 0 : index
    %get3A_786 = vector.load %arg7[%get3A_784, %get3A_785] : memref<8x512xf32, #tpu.memory_space<vmem>>, vector<8x512xf32>
    %mul3A_787 = arith.mulf %tanh3A_766, %select_n3A_774 : vector<17x8x512xf32>
    %reduce_sum3A_788 = arith.constant dense<0.000000e+00> : vector<8x512xf32>
    %reduce_sum3A_789 = vector.multi_reduction <add>, %mul3A_787, %reduce_sum3A_788 [0] : vector<17x8x512xf32> to vector<8x512xf32>
    %add3A_790 = arith.addf %get3A_786, %reduce_sum3A_789 : vector<8x512xf32>
    %swap3A_791 = arith.constant 0 : index
    %swap3A_792 = arith.constant 0 : index
    %swap3A_793 = vector.load %arg7[%swap3A_791, %swap3A_792] : memref<8x512xf32, #tpu.memory_space<vmem>>, vector<8x512xf32>
    tpu.vector_store %arg7[%swap3A_791, %swap3A_792], %add3A_790 {strides = array<i32>} : memref<8x512xf32, #tpu.memory_space<vmem>>, vector<8x512xf32>,
    %get3A_794 = arith.constant 0 : index
    %get3A_795 = arith.constant 0 : index
    %get3A_796 = arith.constant 152 : index
    %get3A_797 = arith.constant 0 : index
    %get3A_798 = vector.load %arg2[%get3A_794, %get3A_795, %get3A_796, %get3A_797] : memref<1x17x256x512xf32, #tpu.memory_space<vmem>>, vector<1x17x8x512xf32>
    %get3A_799 = vector.shape_cast %get3A_798 : vector<1x17x8x512xf32> to vector<17x8x512xf32>
    %get3A_800 = arith.constant 0 : index
    %get3A_801 = arith.constant 152 : index
    %get3A_802 = arith.constant 0 : index
    %get3A_803 = vector.load %arg3[%get3A_800, %get3A_801, %get3A_802] : memref<1x256x512xi32, #tpu.memory_space<vmem>>, vector<1x8x512xi32>
    %get3A_804 = vector.shape_cast %get3A_803 : vector<1x8x512xi32> to vector<8x512xi32>
    %mul3A_805 = arith.constant 5.000000e-01 : f32
    %mul3A_806 = vector.broadcast %mul3A_805 : f32 to vector<17x8x512xf32>
    %mul3A_807 = arith.mulf %mul3A_806, %get3A_799 : vector<17x8x512xf32>
    %tanh3A_808 = math.tanh %mul3A_807 : vector<17x8x512xf32>
    %broadcast_in_dim3A_809 = vector.shape_cast %get3A_804 : vector<8x512xi32> to vector<1x8x512xi32>
    %eq3A_810 = vector.broadcast %broadcast_in_dim3A_809 : vector<1x8x512xi32> to vector<17x8x512xi32>
    %eq3A_811 = arith.cmpi eq, %iota3A, %eq3A_810 : vector<17x8x512xi32>
    %jit3A_812 = arith.constant 2.000000e+00 : f32
    %jit3A_813 = arith.constant 0.000000e+00 : f32
    %broadcast_in_dim3A_814 = vector.broadcast %jit3A_812 : f32 to vector<17x8x512xf32>
    %broadcast_in_dim3A_815 = vector.broadcast %jit3A_813 : f32 to vector<17x8x512xf32>
    %select_n3A_816 = arith.select %eq3A_811, %broadcast_in_dim3A_814, %broadcast_in_dim3A_815 : vector<17x8x512xi1>, vector<17x8x512xf32>
    %get3A_817 = arith.constant 0 : index
    %get3A_818 = arith.constant 0 : index
    %get3A_819 = arith.constant 0 : index
    %get3A_820 = vector.load %arg6[%get3A_817, %get3A_818, %get3A_819] : memref<17x8x512xf32, #tpu.memory_space<vmem>>, vector<17x8x512xf32>
    %add3A_821 = arith.addf %get3A_820, %tanh3A_808 : vector<17x8x512xf32>
    %swap3A_822 = arith.constant 0 : index
    %swap3A_823 = arith.constant 0 : index
    %swap3A_824 = arith.constant 0 : index
    %swap3A_825 = vector.load %arg6[%swap3A_822, %swap3A_823, %swap3A_824] : memref<17x8x512xf32, #tpu.memory_space<vmem>>, vector<17x8x512xf32>
    tpu.vector_store %arg6[%swap3A_822, %swap3A_823, %swap3A_824], %add3A_821 {strides = array<i32>} : memref<17x8x512xf32, #tpu.memory_space<vmem>>, vector<17x8x512xf32>,
    %get3A_826 = arith.constant 0 : index
    %get3A_827 = arith.constant 0 : index
    %get3A_828 = vector.load %arg7[%get3A_826, %get3A_827] : memref<8x512xf32, #tpu.memory_space<vmem>>, vector<8x512xf32>
    %mul3A_829 = arith.mulf %tanh3A_808, %select_n3A_816 : vector<17x8x512xf32>
    %reduce_sum3A_830 = arith.constant dense<0.000000e+00> : vector<8x512xf32>
    %reduce_sum3A_831 = vector.multi_reduction <add>, %mul3A_829, %reduce_sum3A_830 [0] : vector<17x8x512xf32> to vector<8x512xf32>
    %add3A_832 = arith.addf %get3A_828, %reduce_sum3A_831 : vector<8x512xf32>
    %swap3A_833 = arith.constant 0 : index
    %swap3A_834 = arith.constant 0 : index
    %swap3A_835 = vector.load %arg7[%swap3A_833, %swap3A_834] : memref<8x512xf32, #tpu.memory_space<vmem>>, vector<8x512xf32>
    tpu.vector_store %arg7[%swap3A_833, %swap3A_834], %add3A_832 {strides = array<i32>} : memref<8x512xf32, #tpu.memory_space<vmem>>, vector<8x512xf32>,
    %get3A_836 = arith.constant 0 : index
    %get3A_837 = arith.constant 0 : index
    %get3A_838 = arith.constant 160 : index
    %get3A_839 = arith.constant 0 : index
    %get3A_840 = vector.load %arg2[%get3A_836, %get3A_837, %get3A_838, %get3A_839] : memref<1x17x256x512xf32, #tpu.memory_space<vmem>>, vector<1x17x8x512xf32>
    %get3A_841 = vector.shape_cast %get3A_840 : vector<1x17x8x512xf32> to vector<17x8x512xf32>
    %get3A_842 = arith.constant 0 : index
    %get3A_843 = arith.constant 160 : index
    %get3A_844 = arith.constant 0 : index
    %get3A_845 = vector.load %arg3[%get3A_842, %get3A_843, %get3A_844] : memref<1x256x512xi32, #tpu.memory_space<vmem>>, vector<1x8x512xi32>
    %get3A_846 = vector.shape_cast %get3A_845 : vector<1x8x512xi32> to vector<8x512xi32>
    %mul3A_847 = arith.constant 5.000000e-01 : f32
    %mul3A_848 = vector.broadcast %mul3A_847 : f32 to vector<17x8x512xf32>
    %mul3A_849 = arith.mulf %mul3A_848, %get3A_841 : vector<17x8x512xf32>
    %tanh3A_850 = math.tanh %mul3A_849 : vector<17x8x512xf32>
    %broadcast_in_dim3A_851 = vector.shape_cast %get3A_846 : vector<8x512xi32> to vector<1x8x512xi32>
    %eq3A_852 = vector.broadcast %broadcast_in_dim3A_851 : vector<1x8x512xi32> to vector<17x8x512xi32>
    %eq3A_853 = arith.cmpi eq, %iota3A, %eq3A_852 : vector<17x8x512xi32>
    %jit3A_854 = arith.constant 2.000000e+00 : f32
    %jit3A_855 = arith.constant 0.000000e+00 : f32
    %broadcast_in_dim3A_856 = vector.broadcast %jit3A_854 : f32 to vector<17x8x512xf32>
    %broadcast_in_dim3A_857 = vector.broadcast %jit3A_855 : f32 to vector<17x8x512xf32>
    %select_n3A_858 = arith.select %eq3A_853, %broadcast_in_dim3A_856, %broadcast_in_dim3A_857 : vector<17x8x512xi1>, vector<17x8x512xf32>
    %get3A_859 = arith.constant 0 : index
    %get3A_860 = arith.constant 0 : index
    %get3A_861 = arith.constant 0 : index
    %get3A_862 = vector.load %arg6[%get3A_859, %get3A_860, %get3A_861] : memref<17x8x512xf32, #tpu.memory_space<vmem>>, vector<17x8x512xf32>
    %add3A_863 = arith.addf %get3A_862, %tanh3A_850 : vector<17x8x512xf32>
    %swap3A_864 = arith.constant 0 : index
    %swap3A_865 = arith.constant 0 : index
    %swap3A_866 = arith.constant 0 : index
    %swap3A_867 = vector.load %arg6[%swap3A_864, %swap3A_865, %swap3A_866] : memref<17x8x512xf32, #tpu.memory_space<vmem>>, vector<17x8x512xf32>
    tpu.vector_store %arg6[%swap3A_864, %swap3A_865, %swap3A_866], %add3A_863 {strides = array<i32>} : memref<17x8x512xf32, #tpu.memory_space<vmem>>, vector<17x8x512xf32>,
    %get3A_868 = arith.constant 0 : index
    %get3A_869 = arith.constant 0 : index
    %get3A_870 = vector.load %arg7[%get3A_868, %get3A_869] : memref<8x512xf32, #tpu.memory_space<vmem>>, vector<8x512xf32>
    %mul3A_871 = arith.mulf %tanh3A_850, %select_n3A_858 : vector<17x8x512xf32>
    %reduce_sum3A_872 = arith.constant dense<0.000000e+00> : vector<8x512xf32>
    %reduce_sum3A_873 = vector.multi_reduction <add>, %mul3A_871, %reduce_sum3A_872 [0] : vector<17x8x512xf32> to vector<8x512xf32>
    %add3A_874 = arith.addf %get3A_870, %reduce_sum3A_873 : vector<8x512xf32>
    %swap3A_875 = arith.constant 0 : index
    %swap3A_876 = arith.constant 0 : index
    %swap3A_877 = vector.load %arg7[%swap3A_875, %swap3A_876] : memref<8x512xf32, #tpu.memory_space<vmem>>, vector<8x512xf32>
    tpu.vector_store %arg7[%swap3A_875, %swap3A_876], %add3A_874 {strides = array<i32>} : memref<8x512xf32, #tpu.memory_space<vmem>>, vector<8x512xf32>,
    %get3A_878 = arith.constant 0 : index
    %get3A_879 = arith.constant 0 : index
    %get3A_880 = arith.constant 168 : index
    %get3A_881 = arith.constant 0 : index
    %get3A_882 = vector.load %arg2[%get3A_878, %get3A_879, %get3A_880, %get3A_881] : memref<1x17x256x512xf32, #tpu.memory_space<vmem>>, vector<1x17x8x512xf32>
    %get3A_883 = vector.shape_cast %get3A_882 : vector<1x17x8x512xf32> to vector<17x8x512xf32>
    %get3A_884 = arith.constant 0 : index
    %get3A_885 = arith.constant 168 : index
    %get3A_886 = arith.constant 0 : index
    %get3A_887 = vector.load %arg3[%get3A_884, %get3A_885, %get3A_886] : memref<1x256x512xi32, #tpu.memory_space<vmem>>, vector<1x8x512xi32>
    %get3A_888 = vector.shape_cast %get3A_887 : vector<1x8x512xi32> to vector<8x512xi32>
    %mul3A_889 = arith.constant 5.000000e-01 : f32
    %mul3A_890 = vector.broadcast %mul3A_889 : f32 to vector<17x8x512xf32>
    %mul3A_891 = arith.mulf %mul3A_890, %get3A_883 : vector<17x8x512xf32>
    %tanh3A_892 = math.tanh %mul3A_891 : vector<17x8x512xf32>
    %broadcast_in_dim3A_893 = vector.shape_cast %get3A_888 : vector<8x512xi32> to vector<1x8x512xi32>
    %eq3A_894 = vector.broadcast %broadcast_in_dim3A_893 : vector<1x8x512xi32> to vector<17x8x512xi32>
    %eq3A_895 = arith.cmpi eq, %iota3A, %eq3A_894 : vector<17x8x512xi32>
    %jit3A_896 = arith.constant 2.000000e+00 : f32
    %jit3A_897 = arith.constant 0.000000e+00 : f32
    %broadcast_in_dim3A_898 = vector.broadcast %jit3A_896 : f32 to vector<17x8x512xf32>
    %broadcast_in_dim3A_899 = vector.broadcast %jit3A_897 : f32 to vector<17x8x512xf32>
    %select_n3A_900 = arith.select %eq3A_895, %broadcast_in_dim3A_898, %broadcast_in_dim3A_899 : vector<17x8x512xi1>, vector<17x8x512xf32>
    %get3A_901 = arith.constant 0 : index
    %get3A_902 = arith.constant 0 : index
    %get3A_903 = arith.constant 0 : index
    %get3A_904 = vector.load %arg6[%get3A_901, %get3A_902, %get3A_903] : memref<17x8x512xf32, #tpu.memory_space<vmem>>, vector<17x8x512xf32>
    %add3A_905 = arith.addf %get3A_904, %tanh3A_892 : vector<17x8x512xf32>
    %swap3A_906 = arith.constant 0 : index
    %swap3A_907 = arith.constant 0 : index
    %swap3A_908 = arith.constant 0 : index
    %swap3A_909 = vector.load %arg6[%swap3A_906, %swap3A_907, %swap3A_908] : memref<17x8x512xf32, #tpu.memory_space<vmem>>, vector<17x8x512xf32>
    tpu.vector_store %arg6[%swap3A_906, %swap3A_907, %swap3A_908], %add3A_905 {strides = array<i32>} : memref<17x8x512xf32, #tpu.memory_space<vmem>>, vector<17x8x512xf32>,
    %get3A_910 = arith.constant 0 : index
    %get3A_911 = arith.constant 0 : index
    %get3A_912 = vector.load %arg7[%get3A_910, %get3A_911] : memref<8x512xf32, #tpu.memory_space<vmem>>, vector<8x512xf32>
    %mul3A_913 = arith.mulf %tanh3A_892, %select_n3A_900 : vector<17x8x512xf32>
    %reduce_sum3A_914 = arith.constant dense<0.000000e+00> : vector<8x512xf32>
    %reduce_sum3A_915 = vector.multi_reduction <add>, %mul3A_913, %reduce_sum3A_914 [0] : vector<17x8x512xf32> to vector<8x512xf32>
    %add3A_916 = arith.addf %get3A_912, %reduce_sum3A_915 : vector<8x512xf32>
    %swap3A_917 = arith.constant 0 : index
    %swap3A_918 = arith.constant 0 : index
    %swap3A_919 = vector.load %arg7[%swap3A_917, %swap3A_918] : memref<8x512xf32, #tpu.memory_space<vmem>>, vector<8x512xf32>
    tpu.vector_store %arg7[%swap3A_917, %swap3A_918], %add3A_916 {strides = array<i32>} : memref<8x512xf32, #tpu.memory_space<vmem>>, vector<8x512xf32>,
    %get3A_920 = arith.constant 0 : index
    %get3A_921 = arith.constant 0 : index
    %get3A_922 = arith.constant 176 : index
    %get3A_923 = arith.constant 0 : index
    %get3A_924 = vector.load %arg2[%get3A_920, %get3A_921, %get3A_922, %get3A_923] : memref<1x17x256x512xf32, #tpu.memory_space<vmem>>, vector<1x17x8x512xf32>
    %get3A_925 = vector.shape_cast %get3A_924 : vector<1x17x8x512xf32> to vector<17x8x512xf32>
    %get3A_926 = arith.constant 0 : index
    %get3A_927 = arith.constant 176 : index
    %get3A_928 = arith.constant 0 : index
    %get3A_929 = vector.load %arg3[%get3A_926, %get3A_927, %get3A_928] : memref<1x256x512xi32, #tpu.memory_space<vmem>>, vector<1x8x512xi32>
    %get3A_930 = vector.shape_cast %get3A_929 : vector<1x8x512xi32> to vector<8x512xi32>
    %mul3A_931 = arith.constant 5.000000e-01 : f32
    %mul3A_932 = vector.broadcast %mul3A_931 : f32 to vector<17x8x512xf32>
    %mul3A_933 = arith.mulf %mul3A_932, %get3A_925 : vector<17x8x512xf32>
    %tanh3A_934 = math.tanh %mul3A_933 : vector<17x8x512xf32>
    %broadcast_in_dim3A_935 = vector.shape_cast %get3A_930 : vector<8x512xi32> to vector<1x8x512xi32>
    %eq3A_936 = vector.broadcast %broadcast_in_dim3A_935 : vector<1x8x512xi32> to vector<17x8x512xi32>
    %eq3A_937 = arith.cmpi eq, %iota3A, %eq3A_936 : vector<17x8x512xi32>
    %jit3A_938 = arith.constant 2.000000e+00 : f32
    %jit3A_939 = arith.constant 0.000000e+00 : f32
    %broadcast_in_dim3A_940 = vector.broadcast %jit3A_938 : f32 to vector<17x8x512xf32>
    %broadcast_in_dim3A_941 = vector.broadcast %jit3A_939 : f32 to vector<17x8x512xf32>
    %select_n3A_942 = arith.select %eq3A_937, %broadcast_in_dim3A_940, %broadcast_in_dim3A_941 : vector<17x8x512xi1>, vector<17x8x512xf32>
    %get3A_943 = arith.constant 0 : index
    %get3A_944 = arith.constant 0 : index
    %get3A_945 = arith.constant 0 : index
    %get3A_946 = vector.load %arg6[%get3A_943, %get3A_944, %get3A_945] : memref<17x8x512xf32, #tpu.memory_space<vmem>>, vector<17x8x512xf32>
    %add3A_947 = arith.addf %get3A_946, %tanh3A_934 : vector<17x8x512xf32>
    %swap3A_948 = arith.constant 0 : index
    %swap3A_949 = arith.constant 0 : index
    %swap3A_950 = arith.constant 0 : index
    %swap3A_951 = vector.load %arg6[%swap3A_948, %swap3A_949, %swap3A_950] : memref<17x8x512xf32, #tpu.memory_space<vmem>>, vector<17x8x512xf32>
    tpu.vector_store %arg6[%swap3A_948, %swap3A_949, %swap3A_950], %add3A_947 {strides = array<i32>} : memref<17x8x512xf32, #tpu.memory_space<vmem>>, vector<17x8x512xf32>,
    %get3A_952 = arith.constant 0 : index
    %get3A_953 = arith.constant 0 : index
    %get3A_954 = vector.load %arg7[%get3A_952, %get3A_953] : memref<8x512xf32, #tpu.memory_space<vmem>>, vector<8x512xf32>
    %mul3A_955 = arith.mulf %tanh3A_934, %select_n3A_942 : vector<17x8x512xf32>
    %reduce_sum3A_956 = arith.constant dense<0.000000e+00> : vector<8x512xf32>
    %reduce_sum3A_957 = vector.multi_reduction <add>, %mul3A_955, %reduce_sum3A_956 [0] : vector<17x8x512xf32> to vector<8x512xf32>
    %add3A_958 = arith.addf %get3A_954, %reduce_sum3A_957 : vector<8x512xf32>
    %swap3A_959 = arith.constant 0 : index
    %swap3A_960 = arith.constant 0 : index
    %swap3A_961 = vector.load %arg7[%swap3A_959, %swap3A_960] : memref<8x512xf32, #tpu.memory_space<vmem>>, vector<8x512xf32>
    tpu.vector_store %arg7[%swap3A_959, %swap3A_960], %add3A_958 {strides = array<i32>} : memref<8x512xf32, #tpu.memory_space<vmem>>, vector<8x512xf32>,
    %get3A_962 = arith.constant 0 : index
    %get3A_963 = arith.constant 0 : index
    %get3A_964 = arith.constant 184 : index
    %get3A_965 = arith.constant 0 : index
    %get3A_966 = vector.load %arg2[%get3A_962, %get3A_963, %get3A_964, %get3A_965] : memref<1x17x256x512xf32, #tpu.memory_space<vmem>>, vector<1x17x8x512xf32>
    %get3A_967 = vector.shape_cast %get3A_966 : vector<1x17x8x512xf32> to vector<17x8x512xf32>
    %get3A_968 = arith.constant 0 : index
    %get3A_969 = arith.constant 184 : index
    %get3A_970 = arith.constant 0 : index
    %get3A_971 = vector.load %arg3[%get3A_968, %get3A_969, %get3A_970] : memref<1x256x512xi32, #tpu.memory_space<vmem>>, vector<1x8x512xi32>
    %get3A_972 = vector.shape_cast %get3A_971 : vector<1x8x512xi32> to vector<8x512xi32>
    %mul3A_973 = arith.constant 5.000000e-01 : f32
    %mul3A_974 = vector.broadcast %mul3A_973 : f32 to vector<17x8x512xf32>
    %mul3A_975 = arith.mulf %mul3A_974, %get3A_967 : vector<17x8x512xf32>
    %tanh3A_976 = math.tanh %mul3A_975 : vector<17x8x512xf32>
    %broadcast_in_dim3A_977 = vector.shape_cast %get3A_972 : vector<8x512xi32> to vector<1x8x512xi32>
    %eq3A_978 = vector.broadcast %broadcast_in_dim3A_977 : vector<1x8x512xi32> to vector<17x8x512xi32>
    %eq3A_979 = arith.cmpi eq, %iota3A, %eq3A_978 : vector<17x8x512xi32>
    %jit3A_980 = arith.constant 2.000000e+00 : f32
    %jit3A_981 = arith.constant 0.000000e+00 : f32
    %broadcast_in_dim3A_982 = vector.broadcast %jit3A_980 : f32 to vector<17x8x512xf32>
    %broadcast_in_dim3A_983 = vector.broadcast %jit3A_981 : f32 to vector<17x8x512xf32>
    %select_n3A_984 = arith.select %eq3A_979, %broadcast_in_dim3A_982, %broadcast_in_dim3A_983 : vector<17x8x512xi1>, vector<17x8x512xf32>
    %get3A_985 = arith.constant 0 : index
    %get3A_986 = arith.constant 0 : index
    %get3A_987 = arith.constant 0 : index
    %get3A_988 = vector.load %arg6[%get3A_985, %get3A_986, %get3A_987] : memref<17x8x512xf32, #tpu.memory_space<vmem>>, vector<17x8x512xf32>
    %add3A_989 = arith.addf %get3A_988, %tanh3A_976 : vector<17x8x512xf32>
    %swap3A_990 = arith.constant 0 : index
    %swap3A_991 = arith.constant 0 : index
    %swap3A_992 = arith.constant 0 : index
    %swap3A_993 = vector.load %arg6[%swap3A_990, %swap3A_991, %swap3A_992] : memref<17x8x512xf32, #tpu.memory_space<vmem>>, vector<17x8x512xf32>
    tpu.vector_store %arg6[%swap3A_990, %swap3A_991, %swap3A_992], %add3A_989 {strides = array<i32>} : memref<17x8x512xf32, #tpu.memory_space<vmem>>, vector<17x8x512xf32>,
    %get3A_994 = arith.constant 0 : index
    %get3A_995 = arith.constant 0 : index
    %get3A_996 = vector.load %arg7[%get3A_994, %get3A_995] : memref<8x512xf32, #tpu.memory_space<vmem>>, vector<8x512xf32>
    %mul3A_997 = arith.mulf %tanh3A_976, %select_n3A_984 : vector<17x8x512xf32>
    %reduce_sum3A_998 = arith.constant dense<0.000000e+00> : vector<8x512xf32>
    %reduce_sum3A_999 = vector.multi_reduction <add>, %mul3A_997, %reduce_sum3A_998 [0] : vector<17x8x512xf32> to vector<8x512xf32>
    %add3A_1000 = arith.addf %get3A_996, %reduce_sum3A_999 : vector<8x512xf32>
    %swap3A_1001 = arith.constant 0 : index
    %swap3A_1002 = arith.constant 0 : index
    %swap3A_1003 = vector.load %arg7[%swap3A_1001, %swap3A_1002] : memref<8x512xf32, #tpu.memory_space<vmem>>, vector<8x512xf32>
    tpu.vector_store %arg7[%swap3A_1001, %swap3A_1002], %add3A_1000 {strides = array<i32>} : memref<8x512xf32, #tpu.memory_space<vmem>>, vector<8x512xf32>,
    %get3A_1004 = arith.constant 0 : index
    %get3A_1005 = arith.constant 0 : index
    %get3A_1006 = arith.constant 192 : index
    %get3A_1007 = arith.constant 0 : index
    %get3A_1008 = vector.load %arg2[%get3A_1004, %get3A_1005, %get3A_1006, %get3A_1007] : memref<1x17x256x512xf32, #tpu.memory_space<vmem>>, vector<1x17x8x512xf32>
    %get3A_1009 = vector.shape_cast %get3A_1008 : vector<1x17x8x512xf32> to vector<17x8x512xf32>
    %get3A_1010 = arith.constant 0 : index
    %get3A_1011 = arith.constant 192 : index
    %get3A_1012 = arith.constant 0 : index
    %get3A_1013 = vector.load %arg3[%get3A_1010, %get3A_1011, %get3A_1012] : memref<1x256x512xi32, #tpu.memory_space<vmem>>, vector<1x8x512xi32>
    %get3A_1014 = vector.shape_cast %get3A_1013 : vector<1x8x512xi32> to vector<8x512xi32>
    %mul3A_1015 = arith.constant 5.000000e-01 : f32
    %mul3A_1016 = vector.broadcast %mul3A_1015 : f32 to vector<17x8x512xf32>
    %mul3A_1017 = arith.mulf %mul3A_1016, %get3A_1009 : vector<17x8x512xf32>
    %tanh3A_1018 = math.tanh %mul3A_1017 : vector<17x8x512xf32>
    %broadcast_in_dim3A_1019 = vector.shape_cast %get3A_1014 : vector<8x512xi32> to vector<1x8x512xi32>
    %eq3A_1020 = vector.broadcast %broadcast_in_dim3A_1019 : vector<1x8x512xi32> to vector<17x8x512xi32>
    %eq3A_1021 = arith.cmpi eq, %iota3A, %eq3A_1020 : vector<17x8x512xi32>
    %jit3A_1022 = arith.constant 2.000000e+00 : f32
    %jit3A_1023 = arith.constant 0.000000e+00 : f32
    %broadcast_in_dim3A_1024 = vector.broadcast %jit3A_1022 : f32 to vector<17x8x512xf32>
    %broadcast_in_dim3A_1025 = vector.broadcast %jit3A_1023 : f32 to vector<17x8x512xf32>
    %select_n3A_1026 = arith.select %eq3A_1021, %broadcast_in_dim3A_1024, %broadcast_in_dim3A_1025 : vector<17x8x512xi1>, vector<17x8x512xf32>
    %get3A_1027 = arith.constant 0 : index
    %get3A_1028 = arith.constant 0 : index
    %get3A_1029 = arith.constant 0 : index
    %get3A_1030 = vector.load %arg6[%get3A_1027, %get3A_1028, %get3A_1029] : memref<17x8x512xf32, #tpu.memory_space<vmem>>, vector<17x8x512xf32>
    %add3A_1031 = arith.addf %get3A_1030, %tanh3A_1018 : vector<17x8x512xf32>
    %swap3A_1032 = arith.constant 0 : index
    %swap3A_1033 = arith.constant 0 : index
    %swap3A_1034 = arith.constant 0 : index
    %swap3A_1035 = vector.load %arg6[%swap3A_1032, %swap3A_1033, %swap3A_1034] : memref<17x8x512xf32, #tpu.memory_space<vmem>>, vector<17x8x512xf32>
    tpu.vector_store %arg6[%swap3A_1032, %swap3A_1033, %swap3A_1034], %add3A_1031 {strides = array<i32>} : memref<17x8x512xf32, #tpu.memory_space<vmem>>, vector<17x8x512xf32>,
    %get3A_1036 = arith.constant 0 : index
    %get3A_1037 = arith.constant 0 : index
    %get3A_1038 = vector.load %arg7[%get3A_1036, %get3A_1037] : memref<8x512xf32, #tpu.memory_space<vmem>>, vector<8x512xf32>
    %mul3A_1039 = arith.mulf %tanh3A_1018, %select_n3A_1026 : vector<17x8x512xf32>
    %reduce_sum3A_1040 = arith.constant dense<0.000000e+00> : vector<8x512xf32>
    %reduce_sum3A_1041 = vector.multi_reduction <add>, %mul3A_1039, %reduce_sum3A_1040 [0] : vector<17x8x512xf32> to vector<8x512xf32>
    %add3A_1042 = arith.addf %get3A_1038, %reduce_sum3A_1041 : vector<8x512xf32>
    %swap3A_1043 = arith.constant 0 : index
    %swap3A_1044 = arith.constant 0 : index
    %swap3A_1045 = vector.load %arg7[%swap3A_1043, %swap3A_1044] : memref<8x512xf32, #tpu.memory_space<vmem>>, vector<8x512xf32>
    tpu.vector_store %arg7[%swap3A_1043, %swap3A_1044], %add3A_1042 {strides = array<i32>} : memref<8x512xf32, #tpu.memory_space<vmem>>, vector<8x512xf32>,
    %get3A_1046 = arith.constant 0 : index
    %get3A_1047 = arith.constant 0 : index
    %get3A_1048 = arith.constant 200 : index
    %get3A_1049 = arith.constant 0 : index
    %get3A_1050 = vector.load %arg2[%get3A_1046, %get3A_1047, %get3A_1048, %get3A_1049] : memref<1x17x256x512xf32, #tpu.memory_space<vmem>>, vector<1x17x8x512xf32>
    %get3A_1051 = vector.shape_cast %get3A_1050 : vector<1x17x8x512xf32> to vector<17x8x512xf32>
    %get3A_1052 = arith.constant 0 : index
    %get3A_1053 = arith.constant 200 : index
    %get3A_1054 = arith.constant 0 : index
    %get3A_1055 = vector.load %arg3[%get3A_1052, %get3A_1053, %get3A_1054] : memref<1x256x512xi32, #tpu.memory_space<vmem>>, vector<1x8x512xi32>
    %get3A_1056 = vector.shape_cast %get3A_1055 : vector<1x8x512xi32> to vector<8x512xi32>
    %mul3A_1057 = arith.constant 5.000000e-01 : f32
    %mul3A_1058 = vector.broadcast %mul3A_1057 : f32 to vector<17x8x512xf32>
    %mul3A_1059 = arith.mulf %mul3A_1058, %get3A_1051 : vector<17x8x512xf32>
    %tanh3A_1060 = math.tanh %mul3A_1059 : vector<17x8x512xf32>
    %broadcast_in_dim3A_1061 = vector.shape_cast %get3A_1056 : vector<8x512xi32> to vector<1x8x512xi32>
    %eq3A_1062 = vector.broadcast %broadcast_in_dim3A_1061 : vector<1x8x512xi32> to vector<17x8x512xi32>
    %eq3A_1063 = arith.cmpi eq, %iota3A, %eq3A_1062 : vector<17x8x512xi32>
    %jit3A_1064 = arith.constant 2.000000e+00 : f32
    %jit3A_1065 = arith.constant 0.000000e+00 : f32
    %broadcast_in_dim3A_1066 = vector.broadcast %jit3A_1064 : f32 to vector<17x8x512xf32>
    %broadcast_in_dim3A_1067 = vector.broadcast %jit3A_1065 : f32 to vector<17x8x512xf32>
    %select_n3A_1068 = arith.select %eq3A_1063, %broadcast_in_dim3A_1066, %broadcast_in_dim3A_1067 : vector<17x8x512xi1>, vector<17x8x512xf32>
    %get3A_1069 = arith.constant 0 : index
    %get3A_1070 = arith.constant 0 : index
    %get3A_1071 = arith.constant 0 : index
    %get3A_1072 = vector.load %arg6[%get3A_1069, %get3A_1070, %get3A_1071] : memref<17x8x512xf32, #tpu.memory_space<vmem>>, vector<17x8x512xf32>
    %add3A_1073 = arith.addf %get3A_1072, %tanh3A_1060 : vector<17x8x512xf32>
    %swap3A_1074 = arith.constant 0 : index
    %swap3A_1075 = arith.constant 0 : index
    %swap3A_1076 = arith.constant 0 : index
    %swap3A_1077 = vector.load %arg6[%swap3A_1074, %swap3A_1075, %swap3A_1076] : memref<17x8x512xf32, #tpu.memory_space<vmem>>, vector<17x8x512xf32>
    tpu.vector_store %arg6[%swap3A_1074, %swap3A_1075, %swap3A_1076], %add3A_1073 {strides = array<i32>} : memref<17x8x512xf32, #tpu.memory_space<vmem>>, vector<17x8x512xf32>,
    %get3A_1078 = arith.constant 0 : index
    %get3A_1079 = arith.constant 0 : index
    %get3A_1080 = vector.load %arg7[%get3A_1078, %get3A_1079] : memref<8x512xf32, #tpu.memory_space<vmem>>, vector<8x512xf32>
    %mul3A_1081 = arith.mulf %tanh3A_1060, %select_n3A_1068 : vector<17x8x512xf32>
    %reduce_sum3A_1082 = arith.constant dense<0.000000e+00> : vector<8x512xf32>
    %reduce_sum3A_1083 = vector.multi_reduction <add>, %mul3A_1081, %reduce_sum3A_1082 [0] : vector<17x8x512xf32> to vector<8x512xf32>
    %add3A_1084 = arith.addf %get3A_1080, %reduce_sum3A_1083 : vector<8x512xf32>
    %swap3A_1085 = arith.constant 0 : index
    %swap3A_1086 = arith.constant 0 : index
    %swap3A_1087 = vector.load %arg7[%swap3A_1085, %swap3A_1086] : memref<8x512xf32, #tpu.memory_space<vmem>>, vector<8x512xf32>
    tpu.vector_store %arg7[%swap3A_1085, %swap3A_1086], %add3A_1084 {strides = array<i32>} : memref<8x512xf32, #tpu.memory_space<vmem>>, vector<8x512xf32>,
    %get3A_1088 = arith.constant 0 : index
    %get3A_1089 = arith.constant 0 : index
    %get3A_1090 = arith.constant 208 : index
    %get3A_1091 = arith.constant 0 : index
    %get3A_1092 = vector.load %arg2[%get3A_1088, %get3A_1089, %get3A_1090, %get3A_1091] : memref<1x17x256x512xf32, #tpu.memory_space<vmem>>, vector<1x17x8x512xf32>
    %get3A_1093 = vector.shape_cast %get3A_1092 : vector<1x17x8x512xf32> to vector<17x8x512xf32>
    %get3A_1094 = arith.constant 0 : index
    %get3A_1095 = arith.constant 208 : index
    %get3A_1096 = arith.constant 0 : index
    %get3A_1097 = vector.load %arg3[%get3A_1094, %get3A_1095, %get3A_1096] : memref<1x256x512xi32, #tpu.memory_space<vmem>>, vector<1x8x512xi32>
    %get3A_1098 = vector.shape_cast %get3A_1097 : vector<1x8x512xi32> to vector<8x512xi32>
    %mul3A_1099 = arith.constant 5.000000e-01 : f32
    %mul3A_1100 = vector.broadcast %mul3A_1099 : f32 to vector<17x8x512xf32>
    %mul3A_1101 = arith.mulf %mul3A_1100, %get3A_1093 : vector<17x8x512xf32>
    %tanh3A_1102 = math.tanh %mul3A_1101 : vector<17x8x512xf32>
    %broadcast_in_dim3A_1103 = vector.shape_cast %get3A_1098 : vector<8x512xi32> to vector<1x8x512xi32>
    %eq3A_1104 = vector.broadcast %broadcast_in_dim3A_1103 : vector<1x8x512xi32> to vector<17x8x512xi32>
    %eq3A_1105 = arith.cmpi eq, %iota3A, %eq3A_1104 : vector<17x8x512xi32>
    %jit3A_1106 = arith.constant 2.000000e+00 : f32
    %jit3A_1107 = arith.constant 0.000000e+00 : f32
    %broadcast_in_dim3A_1108 = vector.broadcast %jit3A_1106 : f32 to vector<17x8x512xf32>
    %broadcast_in_dim3A_1109 = vector.broadcast %jit3A_1107 : f32 to vector<17x8x512xf32>
    %select_n3A_1110 = arith.select %eq3A_1105, %broadcast_in_dim3A_1108, %broadcast_in_dim3A_1109 : vector<17x8x512xi1>, vector<17x8x512xf32>
    %get3A_1111 = arith.constant 0 : index
    %get3A_1112 = arith.constant 0 : index
    %get3A_1113 = arith.constant 0 : index
    %get3A_1114 = vector.load %arg6[%get3A_1111, %get3A_1112, %get3A_1113] : memref<17x8x512xf32, #tpu.memory_space<vmem>>, vector<17x8x512xf32>
    %add3A_1115 = arith.addf %get3A_1114, %tanh3A_1102 : vector<17x8x512xf32>
    %swap3A_1116 = arith.constant 0 : index
    %swap3A_1117 = arith.constant 0 : index
    %swap3A_1118 = arith.constant 0 : index
    %swap3A_1119 = vector.load %arg6[%swap3A_1116, %swap3A_1117, %swap3A_1118] : memref<17x8x512xf32, #tpu.memory_space<vmem>>, vector<17x8x512xf32>
    tpu.vector_store %arg6[%swap3A_1116, %swap3A_1117, %swap3A_1118], %add3A_1115 {strides = array<i32>} : memref<17x8x512xf32, #tpu.memory_space<vmem>>, vector<17x8x512xf32>,
    %get3A_1120 = arith.constant 0 : index
    %get3A_1121 = arith.constant 0 : index
    %get3A_1122 = vector.load %arg7[%get3A_1120, %get3A_1121] : memref<8x512xf32, #tpu.memory_space<vmem>>, vector<8x512xf32>
    %mul3A_1123 = arith.mulf %tanh3A_1102, %select_n3A_1110 : vector<17x8x512xf32>
    %reduce_sum3A_1124 = arith.constant dense<0.000000e+00> : vector<8x512xf32>
    %reduce_sum3A_1125 = vector.multi_reduction <add>, %mul3A_1123, %reduce_sum3A_1124 [0] : vector<17x8x512xf32> to vector<8x512xf32>
    %add3A_1126 = arith.addf %get3A_1122, %reduce_sum3A_1125 : vector<8x512xf32>
    %swap3A_1127 = arith.constant 0 : index
    %swap3A_1128 = arith.constant 0 : index
    %swap3A_1129 = vector.load %arg7[%swap3A_1127, %swap3A_1128] : memref<8x512xf32, #tpu.memory_space<vmem>>, vector<8x512xf32>
    tpu.vector_store %arg7[%swap3A_1127, %swap3A_1128], %add3A_1126 {strides = array<i32>} : memref<8x512xf32, #tpu.memory_space<vmem>>, vector<8x512xf32>,
    %get3A_1130 = arith.constant 0 : index
    %get3A_1131 = arith.constant 0 : index
    %get3A_1132 = arith.constant 216 : index
    %get3A_1133 = arith.constant 0 : index
    %get3A_1134 = vector.load %arg2[%get3A_1130, %get3A_1131, %get3A_1132, %get3A_1133] : memref<1x17x256x512xf32, #tpu.memory_space<vmem>>, vector<1x17x8x512xf32>
    %get3A_1135 = vector.shape_cast %get3A_1134 : vector<1x17x8x512xf32> to vector<17x8x512xf32>
    %get3A_1136 = arith.constant 0 : index
    %get3A_1137 = arith.constant 216 : index
    %get3A_1138 = arith.constant 0 : index
    %get3A_1139 = vector.load %arg3[%get3A_1136, %get3A_1137, %get3A_1138] : memref<1x256x512xi32, #tpu.memory_space<vmem>>, vector<1x8x512xi32>
    %get3A_1140 = vector.shape_cast %get3A_1139 : vector<1x8x512xi32> to vector<8x512xi32>
    %mul3A_1141 = arith.constant 5.000000e-01 : f32
    %mul3A_1142 = vector.broadcast %mul3A_1141 : f32 to vector<17x8x512xf32>
    %mul3A_1143 = arith.mulf %mul3A_1142, %get3A_1135 : vector<17x8x512xf32>
    %tanh3A_1144 = math.tanh %mul3A_1143 : vector<17x8x512xf32>
    %broadcast_in_dim3A_1145 = vector.shape_cast %get3A_1140 : vector<8x512xi32> to vector<1x8x512xi32>
    %eq3A_1146 = vector.broadcast %broadcast_in_dim3A_1145 : vector<1x8x512xi32> to vector<17x8x512xi32>
    %eq3A_1147 = arith.cmpi eq, %iota3A, %eq3A_1146 : vector<17x8x512xi32>
    %jit3A_1148 = arith.constant 2.000000e+00 : f32
    %jit3A_1149 = arith.constant 0.000000e+00 : f32
    %broadcast_in_dim3A_1150 = vector.broadcast %jit3A_1148 : f32 to vector<17x8x512xf32>
    %broadcast_in_dim3A_1151 = vector.broadcast %jit3A_1149 : f32 to vector<17x8x512xf32>
    %select_n3A_1152 = arith.select %eq3A_1147, %broadcast_in_dim3A_1150, %broadcast_in_dim3A_1151 : vector<17x8x512xi1>, vector<17x8x512xf32>
    %get3A_1153 = arith.constant 0 : index
    %get3A_1154 = arith.constant 0 : index
    %get3A_1155 = arith.constant 0 : index
    %get3A_1156 = vector.load %arg6[%get3A_1153, %get3A_1154, %get3A_1155] : memref<17x8x512xf32, #tpu.memory_space<vmem>>, vector<17x8x512xf32>
    %add3A_1157 = arith.addf %get3A_1156, %tanh3A_1144 : vector<17x8x512xf32>
    %swap3A_1158 = arith.constant 0 : index
    %swap3A_1159 = arith.constant 0 : index
    %swap3A_1160 = arith.constant 0 : index
    %swap3A_1161 = vector.load %arg6[%swap3A_1158, %swap3A_1159, %swap3A_1160] : memref<17x8x512xf32, #tpu.memory_space<vmem>>, vector<17x8x512xf32>
    tpu.vector_store %arg6[%swap3A_1158, %swap3A_1159, %swap3A_1160], %add3A_1157 {strides = array<i32>} : memref<17x8x512xf32, #tpu.memory_space<vmem>>, vector<17x8x512xf32>,
    %get3A_1162 = arith.constant 0 : index
    %get3A_1163 = arith.constant 0 : index
    %get3A_1164 = vector.load %arg7[%get3A_1162, %get3A_1163] : memref<8x512xf32, #tpu.memory_space<vmem>>, vector<8x512xf32>
    %mul3A_1165 = arith.mulf %tanh3A_1144, %select_n3A_1152 : vector<17x8x512xf32>
    %reduce_sum3A_1166 = arith.constant dense<0.000000e+00> : vector<8x512xf32>
    %reduce_sum3A_1167 = vector.multi_reduction <add>, %mul3A_1165, %reduce_sum3A_1166 [0] : vector<17x8x512xf32> to vector<8x512xf32>
    %add3A_1168 = arith.addf %get3A_1164, %reduce_sum3A_1167 : vector<8x512xf32>
    %swap3A_1169 = arith.constant 0 : index
    %swap3A_1170 = arith.constant 0 : index
    %swap3A_1171 = vector.load %arg7[%swap3A_1169, %swap3A_1170] : memref<8x512xf32, #tpu.memory_space<vmem>>, vector<8x512xf32>
    tpu.vector_store %arg7[%swap3A_1169, %swap3A_1170], %add3A_1168 {strides = array<i32>} : memref<8x512xf32, #tpu.memory_space<vmem>>, vector<8x512xf32>,
    %get3A_1172 = arith.constant 0 : index
    %get3A_1173 = arith.constant 0 : index
    %get3A_1174 = arith.constant 224 : index
    %get3A_1175 = arith.constant 0 : index
    %get3A_1176 = vector.load %arg2[%get3A_1172, %get3A_1173, %get3A_1174, %get3A_1175] : memref<1x17x256x512xf32, #tpu.memory_space<vmem>>, vector<1x17x8x512xf32>
    %get3A_1177 = vector.shape_cast %get3A_1176 : vector<1x17x8x512xf32> to vector<17x8x512xf32>
    %get3A_1178 = arith.constant 0 : index
    %get3A_1179 = arith.constant 224 : index
    %get3A_1180 = arith.constant 0 : index
    %get3A_1181 = vector.load %arg3[%get3A_1178, %get3A_1179, %get3A_1180] : memref<1x256x512xi32, #tpu.memory_space<vmem>>, vector<1x8x512xi32>
    %get3A_1182 = vector.shape_cast %get3A_1181 : vector<1x8x512xi32> to vector<8x512xi32>
    %mul3A_1183 = arith.constant 5.000000e-01 : f32
    %mul3A_1184 = vector.broadcast %mul3A_1183 : f32 to vector<17x8x512xf32>
    %mul3A_1185 = arith.mulf %mul3A_1184, %get3A_1177 : vector<17x8x512xf32>
    %tanh3A_1186 = math.tanh %mul3A_1185 : vector<17x8x512xf32>
    %broadcast_in_dim3A_1187 = vector.shape_cast %get3A_1182 : vector<8x512xi32> to vector<1x8x512xi32>
    %eq3A_1188 = vector.broadcast %broadcast_in_dim3A_1187 : vector<1x8x512xi32> to vector<17x8x512xi32>
    %eq3A_1189 = arith.cmpi eq, %iota3A, %eq3A_1188 : vector<17x8x512xi32>
    %jit3A_1190 = arith.constant 2.000000e+00 : f32
    %jit3A_1191 = arith.constant 0.000000e+00 : f32
    %broadcast_in_dim3A_1192 = vector.broadcast %jit3A_1190 : f32 to vector<17x8x512xf32>
    %broadcast_in_dim3A_1193 = vector.broadcast %jit3A_1191 : f32 to vector<17x8x512xf32>
    %select_n3A_1194 = arith.select %eq3A_1189, %broadcast_in_dim3A_1192, %broadcast_in_dim3A_1193 : vector<17x8x512xi1>, vector<17x8x512xf32>
    %get3A_1195 = arith.constant 0 : index
    %get3A_1196 = arith.constant 0 : index
    %get3A_1197 = arith.constant 0 : index
    %get3A_1198 = vector.load %arg6[%get3A_1195, %get3A_1196, %get3A_1197] : memref<17x8x512xf32, #tpu.memory_space<vmem>>, vector<17x8x512xf32>
    %add3A_1199 = arith.addf %get3A_1198, %tanh3A_1186 : vector<17x8x512xf32>
    %swap3A_1200 = arith.constant 0 : index
    %swap3A_1201 = arith.constant 0 : index
    %swap3A_1202 = arith.constant 0 : index
    %swap3A_1203 = vector.load %arg6[%swap3A_1200, %swap3A_1201, %swap3A_1202] : memref<17x8x512xf32, #tpu.memory_space<vmem>>, vector<17x8x512xf32>
    tpu.vector_store %arg6[%swap3A_1200, %swap3A_1201, %swap3A_1202], %add3A_1199 {strides = array<i32>} : memref<17x8x512xf32, #tpu.memory_space<vmem>>, vector<17x8x512xf32>,
    %get3A_1204 = arith.constant 0 : index
    %get3A_1205 = arith.constant 0 : index
    %get3A_1206 = vector.load %arg7[%get3A_1204, %get3A_1205] : memref<8x512xf32, #tpu.memory_space<vmem>>, vector<8x512xf32>
    %mul3A_1207 = arith.mulf %tanh3A_1186, %select_n3A_1194 : vector<17x8x512xf32>
    %reduce_sum3A_1208 = arith.constant dense<0.000000e+00> : vector<8x512xf32>
    %reduce_sum3A_1209 = vector.multi_reduction <add>, %mul3A_1207, %reduce_sum3A_1208 [0] : vector<17x8x512xf32> to vector<8x512xf32>
    %add3A_1210 = arith.addf %get3A_1206, %reduce_sum3A_1209 : vector<8x512xf32>
    %swap3A_1211 = arith.constant 0 : index
    %swap3A_1212 = arith.constant 0 : index
    %swap3A_1213 = vector.load %arg7[%swap3A_1211, %swap3A_1212] : memref<8x512xf32, #tpu.memory_space<vmem>>, vector<8x512xf32>
    tpu.vector_store %arg7[%swap3A_1211, %swap3A_1212], %add3A_1210 {strides = array<i32>} : memref<8x512xf32, #tpu.memory_space<vmem>>, vector<8x512xf32>,
    %get3A_1214 = arith.constant 0 : index
    %get3A_1215 = arith.constant 0 : index
    %get3A_1216 = arith.constant 232 : index
    %get3A_1217 = arith.constant 0 : index
    %get3A_1218 = vector.load %arg2[%get3A_1214, %get3A_1215, %get3A_1216, %get3A_1217] : memref<1x17x256x512xf32, #tpu.memory_space<vmem>>, vector<1x17x8x512xf32>
    %get3A_1219 = vector.shape_cast %get3A_1218 : vector<1x17x8x512xf32> to vector<17x8x512xf32>
    %get3A_1220 = arith.constant 0 : index
    %get3A_1221 = arith.constant 232 : index
    %get3A_1222 = arith.constant 0 : index
    %get3A_1223 = vector.load %arg3[%get3A_1220, %get3A_1221, %get3A_1222] : memref<1x256x512xi32, #tpu.memory_space<vmem>>, vector<1x8x512xi32>
    %get3A_1224 = vector.shape_cast %get3A_1223 : vector<1x8x512xi32> to vector<8x512xi32>
    %mul3A_1225 = arith.constant 5.000000e-01 : f32
    %mul3A_1226 = vector.broadcast %mul3A_1225 : f32 to vector<17x8x512xf32>
    %mul3A_1227 = arith.mulf %mul3A_1226, %get3A_1219 : vector<17x8x512xf32>
    %tanh3A_1228 = math.tanh %mul3A_1227 : vector<17x8x512xf32>
    %broadcast_in_dim3A_1229 = vector.shape_cast %get3A_1224 : vector<8x512xi32> to vector<1x8x512xi32>
    %eq3A_1230 = vector.broadcast %broadcast_in_dim3A_1229 : vector<1x8x512xi32> to vector<17x8x512xi32>
    %eq3A_1231 = arith.cmpi eq, %iota3A, %eq3A_1230 : vector<17x8x512xi32>
    %jit3A_1232 = arith.constant 2.000000e+00 : f32
    %jit3A_1233 = arith.constant 0.000000e+00 : f32
    %broadcast_in_dim3A_1234 = vector.broadcast %jit3A_1232 : f32 to vector<17x8x512xf32>
    %broadcast_in_dim3A_1235 = vector.broadcast %jit3A_1233 : f32 to vector<17x8x512xf32>
    %select_n3A_1236 = arith.select %eq3A_1231, %broadcast_in_dim3A_1234, %broadcast_in_dim3A_1235 : vector<17x8x512xi1>, vector<17x8x512xf32>
    %get3A_1237 = arith.constant 0 : index
    %get3A_1238 = arith.constant 0 : index
    %get3A_1239 = arith.constant 0 : index
    %get3A_1240 = vector.load %arg6[%get3A_1237, %get3A_1238, %get3A_1239] : memref<17x8x512xf32, #tpu.memory_space<vmem>>, vector<17x8x512xf32>
    %add3A_1241 = arith.addf %get3A_1240, %tanh3A_1228 : vector<17x8x512xf32>
    %swap3A_1242 = arith.constant 0 : index
    %swap3A_1243 = arith.constant 0 : index
    %swap3A_1244 = arith.constant 0 : index
    %swap3A_1245 = vector.load %arg6[%swap3A_1242, %swap3A_1243, %swap3A_1244] : memref<17x8x512xf32, #tpu.memory_space<vmem>>, vector<17x8x512xf32>
    tpu.vector_store %arg6[%swap3A_1242, %swap3A_1243, %swap3A_1244], %add3A_1241 {strides = array<i32>} : memref<17x8x512xf32, #tpu.memory_space<vmem>>, vector<17x8x512xf32>,
    %get3A_1246 = arith.constant 0 : index
    %get3A_1247 = arith.constant 0 : index
    %get3A_1248 = vector.load %arg7[%get3A_1246, %get3A_1247] : memref<8x512xf32, #tpu.memory_space<vmem>>, vector<8x512xf32>
    %mul3A_1249 = arith.mulf %tanh3A_1228, %select_n3A_1236 : vector<17x8x512xf32>
    %reduce_sum3A_1250 = arith.constant dense<0.000000e+00> : vector<8x512xf32>
    %reduce_sum3A_1251 = vector.multi_reduction <add>, %mul3A_1249, %reduce_sum3A_1250 [0] : vector<17x8x512xf32> to vector<8x512xf32>
    %add3A_1252 = arith.addf %get3A_1248, %reduce_sum3A_1251 : vector<8x512xf32>
    %swap3A_1253 = arith.constant 0 : index
    %swap3A_1254 = arith.constant 0 : index
    %swap3A_1255 = vector.load %arg7[%swap3A_1253, %swap3A_1254] : memref<8x512xf32, #tpu.memory_space<vmem>>, vector<8x512xf32>
    tpu.vector_store %arg7[%swap3A_1253, %swap3A_1254], %add3A_1252 {strides = array<i32>} : memref<8x512xf32, #tpu.memory_space<vmem>>, vector<8x512xf32>,
    %get3A_1256 = arith.constant 0 : index
    %get3A_1257 = arith.constant 0 : index
    %get3A_1258 = arith.constant 240 : index
    %get3A_1259 = arith.constant 0 : index
    %get3A_1260 = vector.load %arg2[%get3A_1256, %get3A_1257, %get3A_1258, %get3A_1259] : memref<1x17x256x512xf32, #tpu.memory_space<vmem>>, vector<1x17x8x512xf32>
    %get3A_1261 = vector.shape_cast %get3A_1260 : vector<1x17x8x512xf32> to vector<17x8x512xf32>
    %get3A_1262 = arith.constant 0 : index
    %get3A_1263 = arith.constant 240 : index
    %get3A_1264 = arith.constant 0 : index
    %get3A_1265 = vector.load %arg3[%get3A_1262, %get3A_1263, %get3A_1264] : memref<1x256x512xi32, #tpu.memory_space<vmem>>, vector<1x8x512xi32>
    %get3A_1266 = vector.shape_cast %get3A_1265 : vector<1x8x512xi32> to vector<8x512xi32>
    %mul3A_1267 = arith.constant 5.000000e-01 : f32
    %mul3A_1268 = vector.broadcast %mul3A_1267 : f32 to vector<17x8x512xf32>
    %mul3A_1269 = arith.mulf %mul3A_1268, %get3A_1261 : vector<17x8x512xf32>
    %tanh3A_1270 = math.tanh %mul3A_1269 : vector<17x8x512xf32>
    %broadcast_in_dim3A_1271 = vector.shape_cast %get3A_1266 : vector<8x512xi32> to vector<1x8x512xi32>
    %eq3A_1272 = vector.broadcast %broadcast_in_dim3A_1271 : vector<1x8x512xi32> to vector<17x8x512xi32>
    %eq3A_1273 = arith.cmpi eq, %iota3A, %eq3A_1272 : vector<17x8x512xi32>
    %jit3A_1274 = arith.constant 2.000000e+00 : f32
    %jit3A_1275 = arith.constant 0.000000e+00 : f32
    %broadcast_in_dim3A_1276 = vector.broadcast %jit3A_1274 : f32 to vector<17x8x512xf32>
    %broadcast_in_dim3A_1277 = vector.broadcast %jit3A_1275 : f32 to vector<17x8x512xf32>
    %select_n3A_1278 = arith.select %eq3A_1273, %broadcast_in_dim3A_1276, %broadcast_in_dim3A_1277 : vector<17x8x512xi1>, vector<17x8x512xf32>
    %get3A_1279 = arith.constant 0 : index
    %get3A_1280 = arith.constant 0 : index
    %get3A_1281 = arith.constant 0 : index
    %get3A_1282 = vector.load %arg6[%get3A_1279, %get3A_1280, %get3A_1281] : memref<17x8x512xf32, #tpu.memory_space<vmem>>, vector<17x8x512xf32>
    %add3A_1283 = arith.addf %get3A_1282, %tanh3A_1270 : vector<17x8x512xf32>
    %swap3A_1284 = arith.constant 0 : index
    %swap3A_1285 = arith.constant 0 : index
    %swap3A_1286 = arith.constant 0 : index
    %swap3A_1287 = vector.load %arg6[%swap3A_1284, %swap3A_1285, %swap3A_1286] : memref<17x8x512xf32, #tpu.memory_space<vmem>>, vector<17x8x512xf32>
    tpu.vector_store %arg6[%swap3A_1284, %swap3A_1285, %swap3A_1286], %add3A_1283 {strides = array<i32>} : memref<17x8x512xf32, #tpu.memory_space<vmem>>, vector<17x8x512xf32>,
    %get3A_1288 = arith.constant 0 : index
    %get3A_1289 = arith.constant 0 : index
    %get3A_1290 = vector.load %arg7[%get3A_1288, %get3A_1289] : memref<8x512xf32, #tpu.memory_space<vmem>>, vector<8x512xf32>
    %mul3A_1291 = arith.mulf %tanh3A_1270, %select_n3A_1278 : vector<17x8x512xf32>
    %reduce_sum3A_1292 = arith.constant dense<0.000000e+00> : vector<8x512xf32>
    %reduce_sum3A_1293 = vector.multi_reduction <add>, %mul3A_1291, %reduce_sum3A_1292 [0] : vector<17x8x512xf32> to vector<8x512xf32>
    %add3A_1294 = arith.addf %get3A_1290, %reduce_sum3A_1293 : vector<8x512xf32>
    %swap3A_1295 = arith.constant 0 : index
    %swap3A_1296 = arith.constant 0 : index
    %swap3A_1297 = vector.load %arg7[%swap3A_1295, %swap3A_1296] : memref<8x512xf32, #tpu.memory_space<vmem>>, vector<8x512xf32>
    tpu.vector_store %arg7[%swap3A_1295, %swap3A_1296], %add3A_1294 {strides = array<i32>} : memref<8x512xf32, #tpu.memory_space<vmem>>, vector<8x512xf32>,
    %get3A_1298 = arith.constant 0 : index
    %get3A_1299 = arith.constant 0 : index
    %get3A_1300 = arith.constant 248 : index
    %get3A_1301 = arith.constant 0 : index
    %get3A_1302 = vector.load %arg2[%get3A_1298, %get3A_1299, %get3A_1300, %get3A_1301] : memref<1x17x256x512xf32, #tpu.memory_space<vmem>>, vector<1x17x8x512xf32>
    %get3A_1303 = vector.shape_cast %get3A_1302 : vector<1x17x8x512xf32> to vector<17x8x512xf32>
    %get3A_1304 = arith.constant 0 : index
    %get3A_1305 = arith.constant 248 : index
    %get3A_1306 = arith.constant 0 : index
    %get3A_1307 = vector.load %arg3[%get3A_1304, %get3A_1305, %get3A_1306] : memref<1x256x512xi32, #tpu.memory_space<vmem>>, vector<1x8x512xi32>
    %get3A_1308 = vector.shape_cast %get3A_1307 : vector<1x8x512xi32> to vector<8x512xi32>
    %mul3A_1309 = arith.constant 5.000000e-01 : f32
    %mul3A_1310 = vector.broadcast %mul3A_1309 : f32 to vector<17x8x512xf32>
    %mul3A_1311 = arith.mulf %mul3A_1310, %get3A_1303 : vector<17x8x512xf32>
    %tanh3A_1312 = math.tanh %mul3A_1311 : vector<17x8x512xf32>
    %broadcast_in_dim3A_1313 = vector.shape_cast %get3A_1308 : vector<8x512xi32> to vector<1x8x512xi32>
    %eq3A_1314 = vector.broadcast %broadcast_in_dim3A_1313 : vector<1x8x512xi32> to vector<17x8x512xi32>
    %eq3A_1315 = arith.cmpi eq, %iota3A, %eq3A_1314 : vector<17x8x512xi32>
    %jit3A_1316 = arith.constant 2.000000e+00 : f32
    %jit3A_1317 = arith.constant 0.000000e+00 : f32
    %broadcast_in_dim3A_1318 = vector.broadcast %jit3A_1316 : f32 to vector<17x8x512xf32>
    %broadcast_in_dim3A_1319 = vector.broadcast %jit3A_1317 : f32 to vector<17x8x512xf32>
    %select_n3A_1320 = arith.select %eq3A_1315, %broadcast_in_dim3A_1318, %broadcast_in_dim3A_1319 : vector<17x8x512xi1>, vector<17x8x512xf32>
    %get3A_1321 = arith.constant 0 : index
    %get3A_1322 = arith.constant 0 : index
    %get3A_1323 = arith.constant 0 : index
    %get3A_1324 = vector.load %arg6[%get3A_1321, %get3A_1322, %get3A_1323] : memref<17x8x512xf32, #tpu.memory_space<vmem>>, vector<17x8x512xf32>
    %add3A_1325 = arith.addf %get3A_1324, %tanh3A_1312 : vector<17x8x512xf32>
    %swap3A_1326 = arith.constant 0 : index
    %swap3A_1327 = arith.constant 0 : index
    %swap3A_1328 = arith.constant 0 : index
    %swap3A_1329 = vector.load %arg6[%swap3A_1326, %swap3A_1327, %swap3A_1328] : memref<17x8x512xf32, #tpu.memory_space<vmem>>, vector<17x8x512xf32>
    tpu.vector_store %arg6[%swap3A_1326, %swap3A_1327, %swap3A_1328], %add3A_1325 {strides = array<i32>} : memref<17x8x512xf32, #tpu.memory_space<vmem>>, vector<17x8x512xf32>,
    %get3A_1330 = arith.constant 0 : index
    %get3A_1331 = arith.constant 0 : index
    %get3A_1332 = vector.load %arg7[%get3A_1330, %get3A_1331] : memref<8x512xf32, #tpu.memory_space<vmem>>, vector<8x512xf32>
    %mul3A_1333 = arith.mulf %tanh3A_1312, %select_n3A_1320 : vector<17x8x512xf32>
    %reduce_sum3A_1334 = arith.constant dense<0.000000e+00> : vector<8x512xf32>
    %reduce_sum3A_1335 = vector.multi_reduction <add>, %mul3A_1333, %reduce_sum3A_1334 [0] : vector<17x8x512xf32> to vector<8x512xf32>
    %add3A_1336 = arith.addf %get3A_1332, %reduce_sum3A_1335 : vector<8x512xf32>
    %swap3A_1337 = arith.constant 0 : index
    %swap3A_1338 = arith.constant 0 : index
    %swap3A_1339 = vector.load %arg7[%swap3A_1337, %swap3A_1338] : memref<8x512xf32, #tpu.memory_space<vmem>>, vector<8x512xf32>
    tpu.vector_store %arg7[%swap3A_1337, %swap3A_1338], %add3A_1336 {strides = array<i32>} : memref<8x512xf32, #tpu.memory_space<vmem>>, vector<8x512xf32>,
    %eq3A_1340 = arith.constant 15 : i32
    %eq3A_1341 = arith.cmpi eq, %add3A, %eq3A_1340 : i32
    %convert_element_type3A_1342 = arith.extui %eq3A_1341 : i1 to i32
    %cond3A_1343 = arith.constant 0 : i32
    %cond3A_1344 = arith.cmpi ne, %convert_element_type3A_1342, %cond3A_1343 : i32
    scf.if %cond3A_1344 {
      %get3A_1345 = arith.constant 0 : index
      %get3A_1346 = arith.constant 0 : index
      %get3A_1347 = arith.constant 0 : index
      %get3A_1348 = vector.load %arg6[%get3A_1345, %get3A_1346, %get3A_1347] : memref<17x8x512xf32, #tpu.memory_space<vmem>>, vector<17x8x512xf32>
      %reduce_sum3A_1349 = arith.constant dense<0.000000e+00> : vector<17x512xf32>
      %reduce_sum3A_1350 = vector.multi_reduction <add>, %get3A_1348, %reduce_sum3A_1349 [1] : vector<17x8x512xf32> to vector<17x512xf32>
      %reduce_sum3A_1351 = arith.constant dense<0.000000e+00> : vector<17xf32>
      %reduce_sum3A_1352 = vector.multi_reduction <add>, %reduce_sum3A_1350, %reduce_sum3A_1351 [1] : vector<17x512xf32> to vector<17xf32>
      %broadcast_in_dim3A_1353 = vector.shape_cast %reduce_sum3A_1352 : vector<17xf32> to vector<1x17xf32>
      %swap3A_1354 = arith.constant 0 : index
      %swap3A_1355 = arith.constant 0 : index
      %swap3A_1356 = vector.load %arg4[%swap3A_1354, %swap3A_1355] : memref<1x17xf32, #tpu.memory_space<vmem>>, vector<1x17xf32>
      tpu.vector_store %arg4[%swap3A_1354, %swap3A_1355], %broadcast_in_dim3A_1353 {strides = array<i32>} : memref<1x17xf32, #tpu.memory_space<vmem>>, vector<1x17xf32>,
      %get3A_1357 = arith.constant 0 : index
      %get3A_1358 = arith.constant 0 : index
      %get3A_1359 = vector.load %arg7[%get3A_1357, %get3A_1358] : memref<8x512xf32, #tpu.memory_space<vmem>>, vector<8x512xf32>
      %reduce_sum3A_1360 = vector.shape_cast %get3A_1359 : vector<8x512xf32> to vector<1x8x512xf32>
      %reduce_sum3A_1361 = arith.constant dense<0.000000e+00> : vector<1xf32>
      %reduce_sum3A_1362 = vector.multi_reduction <add>, %reduce_sum3A_1360, %reduce_sum3A_1361 [1, 2] : vector<1x8x512xf32> to vector<1xf32>
      %reduce_sum3A_1363 = vector.shape_cast %reduce_sum3A_1362 : vector<1xf32> to vector<1x1x1xf32>
      %reduce_sum3A_1364 = vector.extract %reduce_sum3A_1363[0, 0, 0] : f32 from vector<1x1x1xf32>
      %mul3A_1365 = arith.constant 2.500000e-01 : f32
      %mul3A_1366 = arith.mulf %mul3A_1365, %reduce_sum3A_1364 : f32
      %add3A_1367 = arith.constant 0x49800000 : f32
      %add3A_1368 = arith.addf %mul3A_1366, %add3A_1367 : f32
      %swap3A_1369 = arith.constant 0 : index
      %swap3A_1370 = arith.constant 0 : index
      %swap3A_1371 = memref.load %arg5[%swap3A_1369, %swap3A_1370] : memref<1x1xf32, #tpu.memory_space<smem>>
      memref.store %add3A_1368, %arg5[%swap3A_1369, %swap3A_1370] : memref<1x1xf32, #tpu.memory_space<smem>>
    } else {
    }
    return
  }
  func.func @transform_0(%arg0: i32, %arg1: i32) -> (i32, i32, i32, i32) {
    %c0_i32 = arith.constant 0 : i32
    %c0_i32_0 = arith.constant 0 : i32
    %c0_i32_1 = arith.constant 0 : i32
    return %arg0, %c0_i32, %arg1, %c0_i32_0 : i32, i32, i32, i32
  }
  func.func @transform_1(%arg0: i32, %arg1: i32) -> (i32, i32, i32) {
    %c0_i32 = arith.constant 0 : i32
    %c0_i32_0 = arith.constant 0 : i32
    return %arg0, %arg1, %c0_i32 : i32, i32, i32
  }
  func.func @transform_2(%arg0: i32, %arg1: i32) -> (i32, i32) {
    %c0_i32 = arith.constant 0 : i32
    %c0_i32_0 = arith.constant 0 : i32
    %c0_i32_1 = arith.constant 0 : i32
    return %c0_i32, %c0_i32_0 : i32, i32
  }
  func.func @transform_3(%arg0: i32, %arg1: i32) -> (i32, i32) {
    %c0_i32 = arith.constant 0 : i32
    %c0_i32_0 = arith.constant 0 : i32
    %c0_i32_1 = arith.constant 0 : i32
    return %c0_i32, %c0_i32_0 : i32, i32
  }
}

</mosaic_0001>

<sc_bundles>
// kernel: kernel.4.cloned.1.call-start
scs
__scs_entry_jumppad:
0x0: {  	(pc) =	sbr.rel $0x88, $3  }
0x1: {  	(tag) =	ssettag $0x0;
	lr =	simm.s32 $0x1  }
0x2: {  	[smem:$0x3F9E] =	sst lr;
	_ =	strace $0xD0000000  }
0x3: {  	_ = 	snop  }
0x4: {  	_ = 	snop  }
0x5: {  	_ = 	snop  }
0x6: {  	_ = 	snop  }
0x7: {  	_ = 	snop  }
__scs_overlays_trampoline_lowered:
0x8: {  	[smem:$0x3FAD] =	sst s0  }
0x9: {  	[smem:$0x3FAE] =	sst s1  }
0xa: {  	[smem:$0x3FAF] =	sst s2  }
0xb: {  	[smem:$0x3FB0] =	sst s3  }
0xc: {  	[smem:$0x3FB1] =	sst s4  }
0xd: {  	[smem:$0x3FB2] =	sst s5  }
0xe: {  	[smem:$0x3FB3] =	sst s6  }
0xf: {  	[smem:$0x3FB4] =	sst s7  }
0x10: {  	[smem:$0x3FB5] =	sst s8  }
0x11: {  	[smem:$0x3FB6] =	sst s9;
	s0 =	simm.s32 @!p0 $0x0  }
0x12: {  	s1 =	sld [smem:$0x3F9C];
	s0 =	simm.s32 @p0 $0x1  }
0x13: {  	[smem:$0x3FB7] =	sst s0;
	s0 =	simm.s32 @!p1 $0x0  }
0x14: {  	s2 =	sld [smem:$0x3F9B];
	s0 =	simm.s32 @p1 $0x1  }
0x15: {  	[smem:$0x3FB8] =	sst s0;
	s0 =	simm.s32 @!p2 $0x0  }
0x16: {  	s3 =	sld [smem:$0x3FDB];
	s0 =	simm.s32 @p2 $0x1  }
0x17: {  	s4 =	simm.s32 $0x1BF5;
	[smem:$0x3FBA] =	sst s0  }
0x18: {  	s0 =	sld [smem:$0x3F9D];
	_ =	swait.ge [sflag:s4], $0x0  }
0x19: {  	s7 =	sld [smem:$0x3F9E]  }
0x1a: {  	s8 =	sadd.s32 $0xFFFFE003, lr  }
0x1b: {  	s9 =	sadd.s32 $0xFFFFFEF7, lr;
	s5 =	simm.s32 $0xFFFFFFFF;
	p2 =	slt.u32 s8, $0xFFFFF086  }
0x1c: {  	p1 =	slt.u32 s9, $0xF7A;
	s5 =	simm.s32 @!p2 $0x0  }
0x1d: {  	s5 =	simm.s32 @p1 $0x1;
	p0 =	seq.s32 s7, s2  }
0x1e: {  	s7 =	smul.u32 @!p0 $0xF7A, s2;
	p2 =	seq.s32 @!p0 s5, $0x0  }
0x1f: {  	s9 =	smul.u32 $0xF7A, s1;
	s8 =	simm.s32 @!p0 $0x1BF5;
	p2 =	por !p2, p0  }
0x20: {  	[sflag:s8] =	ssyncset.s32 @!p0 $0xFFFFF086;
	s6 =	sadd.s32 @!p0 s3, s7;
	s7 =	simm.s32 @!p0 $0x108  }
0x21: {  	s3 =	sadd.s32 s3, s9;
	s6 =	sadd.s32 @!p0 $0x88, s6;
	s7 =	simm.s32 @p2 $0x1082  }
0x22: {  	[simem:s7], [sflag:s8] =	dma.local @!p0 [hbm:s6], $0xF7A  }
0x23: {  	s9 =	sor.u32 $0xD0000000, s2;
	s6 =	simm.s32 $0x108;
	_ =	swait.ge @!p0 [sflag:s8], $0x0  }
0x24: {  	s3 =	sadd.s32 $0x88, s3;
	s6 =	simm.s32 @!p1 $0x1082;
	[sflag:s4] =	ssyncset.s32 $0xFFFFF086  }
0x25: {  	[simem:s6], [sflag:s4] =	dma.local [hbm:s3], $0xF7A  }
0x26: {  	[smem:$0x3F9E] =	sst s1;
	(tag) =	ssettag s2;
	_ =	strace s9  }
0x27: {  	s1 =	sld [smem:$0x3FAE]  }
0x28: {  	s2 =	sld [smem:$0x3FAF]  }
0x29: {  	s4 =	sld [smem:$0x3FB1]  }
0x2a: {  	p0 =	seq.s32 s5, $0x0;
	s5 =	sld [smem:$0x3FB2]  }
0x2b: {  	s6 =	sld [smem:$0x3FB3]  }
0x2c: {  	s7 =	sld [smem:$0x3FB4]  }
0x2d: {  	s3 =	simm.s32 $0x108;
	s8 =	sld [smem:$0x3FB5]  }
0x2e: {  	s3 =	simm.s32 @!p0 $0x1082;
	s9 =	sld [smem:$0x3FB6]  }
0x2f: {  	lr =	sadd.s32 s0, s3;
	s0 =	sld [smem:$0x3FAD]  }
0x30: {  	s3 =	sld [smem:$0x3FB0]  }
0x31: {  	[smem:$0x3FB9] =	sst s10  }
0x32: {  	s10 =	sld [smem:$0x3FB7];
	_ =	sdelay $0x3  }
0x33: {  	p0 =	seq.s32 s10, $0x1;
	s10 =	sld [smem:$0x3FB9];
	_ =	sdelay $0x3  }
0x34: {  	[smem:$0x3FB9] =	sst s10  }
0x35: {  	s10 =	sld [smem:$0x3FB8];
	_ =	sdelay $0x3  }
0x36: {  	p1 =	seq.s32 s10, $0x1;
	s10 =	sld [smem:$0x3FB9];
	_ =	sdelay $0x3  }
0x37: {  	[smem:$0x3FB9] =	sst s10  }
0x38: {  	s10 =	sld [smem:$0x3FBA]  }
0x39: {  	_ = 	snop;
	(pc) =	sbr.ind lr, $3  }
0x3a: {  	_ = 	snop  }
0x3b: {  	_ = 	snop  }
0x3c: {  	p2 =	seq.s32 s10, $0x1;
	s10 =	sld [smem:$0x3FB9]  }
0x3d: {  	_ =	shalt  }
0x3e: {  	_ =	shalt  }
0x3f: {  	_ =	shalt  }
0x40: {  	_ =	shalt  }
0x41: {  	_ =	shalt  }
0x42: {  	_ =	shalt  }
0x43: {  	_ =	shalt  }
0x44: {  	_ =	shalt  }
0x45: {  	_ =	shalt  }
0x46: {  	_ =	shalt  }
0x47: {  	_ =	shalt  }
0x48: {  	_ =	shalt  }
0x49: {  	_ =	shalt  }
0x4a: {  	_ =	shalt  }
0x4b: {  	_ =	shalt  }
0x4c: {  	_ =	shalt  }
0x4d: {  	_ =	shalt  }
0x4e: {  	_ =	shalt  }
0x4f: {  	_ =	shalt  }
0x50: {  	_ =	shalt  }
0x51: {  	_ =	shalt  }
0x52: {  	_ =	shalt  }
0x53: {  	_ =	shalt  }
0x54: {  	_ =	shalt  }
0x55: {  	_ =	shalt  }
0x56: {  	_ =	shalt  }
0x57: {  	_ =	shalt  }
0x58: {  	_ =	shalt  }
0x59: {  	_ =	shalt  }
0x5a: {  	_ =	shalt  }
0x5b: {  	_ =	shalt  }
0x5c: {  	_ =	shalt  }
0x5d: {  	_ =	shalt  }
0x5e: {  	_ =	shalt  }
0x5f: {  	_ =	shalt  }
0x60: {  	_ =	shalt  }
0x61: {  	_ =	shalt  }
0x62: {  	_ =	shalt  }
0x63: {  	_ =	shalt  }
0x64: {  	_ =	shalt  }
0x65: {  	_ =	shalt  }
0x66: {  	_ =	shalt  }
0x67: {  	_ =	shalt  }
0x68: {  	_ =	shalt  }
0x69: {  	_ =	shalt  }
0x6a: {  	_ =	shalt  }
0x6b: {  	_ =	shalt  }
0x6c: {  	_ =	shalt  }
0x6d: {  	_ =	shalt  }
0x6e: {  	_ =	shalt  }
0x6f: {  	_ =	shalt  }
0x70: {  	_ =	shalt  }
0x71: {  	_ =	shalt  }
0x72: {  	_ =	shalt  }
0x73: {  	_ =	shalt  }
0x74: {  	_ =	shalt  }
0x75: {  	_ =	shalt  }
0x76: {  	_ =	shalt  }
0x77: {  	_ =	shalt  }
0x78: {  	_ =	shalt  }
0x79: {  	_ =	shalt  }
0x7a: {  	_ =	shalt  }
0x7b: {  	_ =	shalt  }
0x7c: {  	_ =	shalt  }
0x7d: {  	_ =	shalt  }
0x7e: {  	_ =	shalt  }
0x7f: {  	_ =	shalt  }
0x80: {  	_ =	shalt  }
0x81: {  	_ =	shalt  }
0x82: {  	_ =	shalt  }
0x83: {  	_ =	shalt  }
0x84: {  	_ =	shalt  }
0x85: {  	_ =	shalt  }
0x86: {  	_ =	shalt  }
0x87: {  	_ =	shalt  }
.Lfunc_end0:
.L_simem_size_0:
called_computation_lowered:
.L_overlay_start_0:
0x88: {  	s2 =	sld [smem:$0x3FD9]  }
0x89: {  	s3 =	sld [smem:$0x3FFE];
	_ =	sdelay $0x1  }
0x8a: {  	s1 =	srdreg.scid  }
0x8b: {  	s0 =	sand.u32 $0x1, s1  }
0x8c: {  	s17 =	sshll.u32 s0, $0xA;
	s2 =	sadd.s32 s3, s2  }
0x8d: {  	s2 =	sadd.s32 s2, s17  }
0x8e: {  	[smem:$0x3FC5] =	sst s2  }
0x8f: {  	_ = 	snop  }
0x90: {  	s2 =	sld [smem:$0x3FC8];
	(tm) =	ssettm $0x1  }
0x91: {  	s18 =	sld [smem:$0x3FFB];
	_ =	sdelay $0x3  }
0x92: {  	_ =	strace s18  }
0x93: {  	s3 =	sld [smem:$0x3FFC];
	_ =	sdelay $0x3  }
0x94: {  	_ =	strace s3  }
0x95: {  	s3 =	sld [smem:$0x3FFD];
	_ =	sdelay $0x3  }
0x96: {  	_ =	strace s3  }
0x97: {  	_ =	strace $0x8FFFFFFF  }
0x98: {  	s19 =	sld [smem:$0x3FDB];
	_ =	sdelay $0x1  }
0x99: {  	s4 =	simm.s32 $_scs_section_size  }
0x9a: {  	s5 =	simm.s32 $_size__tile_overlayer_lowered;
	s6 =	simm.s32 $_tile_overlayer_lowered  }
0x9b: {  	s22 =	simm.s32 $0x1BFF;
	s21 =	sshll.u32 s6, $0x1;
	s3 =	sadd.s32 s4, s19  }
0x9c: {  	s7 =	simm.s32 $0x0;
	s20 =	sshll.u32 s5, $0x1;
	s5 =	sadd.s32 s21, s3  }
0x9d: {  	[timem:s7], [sflag:s22] =	dma.local [hbm:s5], s20  }
0x9e: {  	_ =	swait.ge [sflag:s22], s20  }
0x9f: {  	s4 =	ssub.s32 $0x0, s20;
	[sflag:s22] =	ssyncset.done $0x0  }
0xa0: {  	[sflag:s22] =	ssyncadd.s32 s4;
	_ =	sdelay $0x1  }
0xa1: {  	s23 =	simm.s32 $0x1B8B  }
0xa2: {  	_ =	swait.ge [sflag:s23], $0x1  }
0xa3: {  	[sflag:s23] =	ssyncset.done $0x0  }
0xa4: {  	s25 =	simm.s32 $0x1B8E;
	s24 =	sld [smem:$0x3FFE];
	[sflag:s23] =	ssyncadd.s32 $0xFFFFFFFF  }
0xa5: {  	s26 =	simm.s32 $execute0_lowered;
	[smem:$0x3FD2] =	sst s25  }
0xa6: {  	s5 =	sshll.u32 s26, $0x1;
	_ =	strace $0x80000046;
	[dreg:$0x1] =	wrdreg $0xFFFFFFFF  }
0xa7: {  	s28 =	simm.s32 $_size_execute0_lowered;
	s3 =	sadd.s32 s3, s5;
	[dreg:$0x0] =	wrdreg $0x0  }
0xa8: {  	s5 =	sshll.u32 s28, $0x1;
	[dreg:$0x2] =	wrdreg s3  }
0xa9: {  	[dreg:$0x3] =	wrdreg s5  }
0xaa: {  	[dreg:$0x4] =	wrdreg $0xC0  }
0xab: {  	_ =	task [dreg:s7], $0x5FFFF  }
0xac: {  	[dreg:$0x1] =	wrdreg $0xFFFFFFFF  }
0xad: {  	[dreg:$0x0] =	wrdreg $0x60  }
0xae: {  	[dreg:$0x2] =	wrdreg s2  }
0xaf: {  	[dreg:$0x3] =	wrdreg s24  }
0xb0: {  	[dreg:$0x4] =	wrdreg $0x9  }
0xb1: {  	_ =	task.clear_ibuf [dreg:s7], $0x5FFFF;
	_ =	strace $0x90000046  }
0xb2: {  	s29 =	simm.s32 $0x9;
	_ =	strace $0x80000048  }
0xb3: {  	_ =	swait.ge [sflag:s29], $0x1  }
0xb4: {  	[sflag:s29] =	ssyncadd.s32 $0xFFFFFFFF  }
0xb5: {  	_ =	strace $0x90000048  }
0xb6: {  	_ =	sfence  }
0xb7: {  	s30 =	sld [smem:$0x0];
	_ =	sdelay $0x2  }
0xb8: {  	s31 =	sshll.u32 s1, $0xD;
	s1 =	sshrl.u32 s1, $0x2  }
0xb9: {  	s3 =	sand.u32 $0x4000, s31;
	s1 =	sadd.s32 s1, s30  }
0xba: {  	s0 =	sor.u32 s3, s0;
	s1 =	sshll.u32 s1, $0x11  }
0xbb: {  	s0 =	sor.u32 s1, s0  }
0xbc: {  	s0 =	sadd.s32 $0x8F2B, s0  }
0xbd: {  	[sflag:s0] =	ssyncadd.remote.s32 $0x1  }
0xbe: {  	_ =	sfence.sel $0xFFFF  }
0xbf: {  	[dreg:$0x0] =	wrdreg $0xFFFFFFFF;
	(pc) =	sbr.abs _section_cstart, $3  }
0xc0: {  	[dreg:$0x1] =	wrdreg $0xFFFFFFFF  }
0xc1: {  	_ =	task.clear_ibuf [dreg:s7], $0x2FFFF;
	_ =	strace $0x9FFFFFFF  }
0xc2: {  	(tm) =	ssettm $0x7FFFFFFF  }
0xc3: {  	_ =	shalt  }
tec
execute0_lowered:
.L_overlay_start_1:
0x0: {  	(tag) =	ssettag $0x1  }
0x1: {  	s3 =	rddreg [dreg:$0x0]  }
0x2: {  	s4 =	rddreg [dreg:$0x1];
	s1 =	srdreg.scid  }
0x3: {  	s0 =	rddreg [dreg:$0x2];
	s2 =	simm.s32 $0x0;
	s9 =	simm.s32 $0x400  }
0x4: {  	s5 =	sand.u32 $0x1, s1;
	[smem:$0x7FF] =	sst s2;
	s1 =	stileid.u32  }
0x5: {  	v0 =	vlaneseq.u32;
	s6 =	ssub.s32 $0x2, s5;
	_ =	strace $0x80000047;
	s8 =	sshll.u32 s1, $0x1  }
0x6: {  	v0 =	vmul.u32 $0x20, v0;
	s31 =	sshll.u32 s1, $0xA;
	s7 =	sshrl.u32 s6, $0x1;
	s5 =	sor.u32 s5, s8  }
0x7: {  	s6 =	ssub.s32 s6, s7;
	s8 =	sshll.u32 s5, $0xD;
	s5 =	sshll.u32 s5, $0x4  }
0x8: {  	v1 =	vimm.f32 $0.0e+00;
	v2 =	vimm.f32 $1.000000000e+00;
	v3 =	vor.u32 $0x200, v0;
	s7 =	sand.u32 $0x3000, s31;
	s3 =	sadd.s32 s3, s8;
	s5 =	sand.u32 $0x70, s5  }
0x9: {  	v4 =	vor.u32 $0x400, v0;
	v5 =	vor.u32 $0x600, v0;
	v6 =	vor.u32 $0x800, v0;
	s4 =	sadd.s32 s4, s7;
	s7 =	simm.s32 $0x4000;
	s8 =	simm.s32 $0x80  }
0xa: {  	v7 =	vor.u32 $0xA00, v0;
	v8 =	vor.u32 $0xC00, v0;
	v9 =	vor.u32 $0xE00, v0;
	s4 =	sadd.s32 s5, s4;
	s5 =	smax.u32 s6, $0x1;
	s6 =	simm.s32 $0x1  }
.LBB2_1:
0xb: {  	s10 =	simm.s32 $0x40;
	s11 =	simm.s32 $0x0  }
.LBB2_2:
0xc: {  	p0 =	sne.s32 s10, $0x3FC0;
	[tilespmem:s11+$0x4000] =	vst v1;
	s11 =	smov.u32 s10;
	s10 =	sadd.s32 $0x40, s10  }
.Ltmp0:
0xd: {  	(pc) =	sbr.rel @p0 .LBB2_2-.Ltmp0, $2  }
0xe: {  	_ =	sdelay $0x2  }
0xf: {  	s11 =	sshra.s32 s11, $0x2  }
0x10: {  	[tilespmem:s11+$0x4000] =	vst v1;
	s10 =	simm.s32 $0x0;
	s11 =	simm.s32 $0x0  }
.LBB2_4:
0x11: {  	s12 =	sshll.u32 s11, $0xB  }
0x12: {  	s12 =	sadd.s32 s12, s3  }
0x13: {  	[tilespmem:s10], [sflag:$0x1] =	stream.linear.gather [hbm4b:s12+s10], $0x4000, $0x38;
	[tilespmem:$0x5000] =	vst v63  }
0x14: {  	_ =	swait.ge [sflag:s6], $0x4000  }
0x15: {  	[sflag:s6] =	ssyncset.done $0x0  }
0x16: {  	s13 =	simm.s32 $0x0;
	s12 =	simm.s32 $0x0;
	[sflag:s6] =	ssyncadd.s32 $0xFFFFC000  }
.LBB2_5:
0x17: {  	s14 =	sand.u32 $0x3000, s13;
	s15 =	sand.u32 $0x380, s12  }
0x18: {  	s14 =	sor.u32 s15, s14  }
0x19: {  	v10 =	vld [tilespmem:s14+$0x0];
	_ =	sdelay $0x4  }
0x1a: {  	v10 =	vadd.s32 v0, v10;
	_ =	sdelay $0x4  }
0x1b: {  	[tilespmem:v10+s7+$0x0] =	vst.idx.add.f32.msk $0xffff, v2  }
0x1c: {  	v10 =	vld [tilespmem:s14+$0x10];
	_ =	sdelay $0x4  }
0x1d: {  	v10 =	vadd.s32 v3, v10;
	_ =	sdelay $0x4  }
0x1e: {  	[tilespmem:v10+s7+$0x0] =	vst.idx.add.f32.msk $0xffff, v2  }
0x1f: {  	v10 =	vld [tilespmem:s14+$0x20];
	_ =	sdelay $0x4  }
0x20: {  	v10 =	vadd.s32 v4, v10;
	_ =	sdelay $0x4  }
0x21: {  	[tilespmem:v10+s7+$0x0] =	vst.idx.add.f32.msk $0xffff, v2  }
0x22: {  	v10 =	vld [tilespmem:s14+$0x30];
	_ =	sdelay $0x4  }
0x23: {  	v10 =	vadd.s32 v5, v10;
	_ =	sdelay $0x4  }
0x24: {  	[tilespmem:v10+s7+$0x0] =	vst.idx.add.f32.msk $0xffff, v2  }
0x25: {  	v10 =	vld [tilespmem:s14+$0x40];
	_ =	sdelay $0x4  }
0x26: {  	v10 =	vadd.s32 v6, v10;
	_ =	sdelay $0x4  }
0x27: {  	[tilespmem:v10+s7+$0x0] =	vst.idx.add.f32.msk $0xffff, v2  }
0x28: {  	v10 =	vld [tilespmem:s14+$0x50];
	_ =	sdelay $0x4  }
0x29: {  	v10 =	vadd.s32 v7, v10;
	_ =	sdelay $0x4  }
0x2a: {  	[tilespmem:v10+s7+$0x0] =	vst.idx.add.f32.msk $0xffff, v2  }
0x2b: {  	v10 =	vld [tilespmem:s14+$0x60];
	_ =	sdelay $0x4  }
0x2c: {  	v10 =	vadd.s32 v8, v10;
	_ =	sdelay $0x4  }
0x2d: {  	[tilespmem:v10+s7+$0x0] =	vst.idx.add.f32.msk $0xffff, v2  }
0x2e: {  	v10 =	vld [tilespmem:s14+$0x70];
	_ =	sdelay $0x4  }
0x2f: {  	v10 =	vadd.s32 v9, v10;
	_ =	sdelay $0x4  }
0x30: {  	[tilespmem:v10+s7+$0x0] =	vst.idx.add.f32.msk $0xffff, v2  }
0x31: {  	v10 =	vld [tilespmem:s14+$0x400];
	_ =	sdelay $0x4  }
0x32: {  	v10 =	vadd.s32 v0, v10;
	_ =	sdelay $0x4  }
0x33: {  	[tilespmem:v10+s7+$0x0] =	vst.idx.add.f32.msk $0xffff, v2  }
0x34: {  	v10 =	vld [tilespmem:s14+$0x410];
	_ =	sdelay $0x4  }
0x35: {  	v10 =	vadd.s32 v3, v10;
	_ =	sdelay $0x4  }
0x36: {  	[tilespmem:v10+s7+$0x0] =	vst.idx.add.f32.msk $0xffff, v2  }
0x37: {  	v10 =	vld [tilespmem:s14+$0x420];
	_ =	sdelay $0x4  }
0x38: {  	v10 =	vadd.s32 v4, v10;
	_ =	sdelay $0x4  }
0x39: {  	[tilespmem:v10+s7+$0x0] =	vst.idx.add.f32.msk $0xffff, v2  }
0x3a: {  	v10 =	vld [tilespmem:s14+$0x430];
	_ =	sdelay $0x4  }
0x3b: {  	v10 =	vadd.s32 v5, v10;
	_ =	sdelay $0x4  }
0x3c: {  	[tilespmem:v10+s7+$0x0] =	vst.idx.add.f32.msk $0xffff, v2  }
0x3d: {  	v10 =	vld [tilespmem:s14+$0x440];
	_ =	sdelay $0x4  }
0x3e: {  	v10 =	vadd.s32 v6, v10;
	_ =	sdelay $0x4  }
0x3f: {  	[tilespmem:v10+s7+$0x0] =	vst.idx.add.f32.msk $0xffff, v2  }
0x40: {  	v10 =	vld [tilespmem:s14+$0x450];
	_ =	sdelay $0x4  }
0x41: {  	v10 =	vadd.s32 v7, v10;
	_ =	sdelay $0x4  }
0x42: {  	[tilespmem:v10+s7+$0x0] =	vst.idx.add.f32.msk $0xffff, v2  }
0x43: {  	v10 =	vld [tilespmem:s14+$0x460];
	_ =	sdelay $0x4  }
0x44: {  	v10 =	vadd.s32 v8, v10;
	_ =	sdelay $0x4  }
0x45: {  	[tilespmem:v10+s7+$0x0] =	vst.idx.add.f32.msk $0xffff, v2  }
0x46: {  	v10 =	vld [tilespmem:s14+$0x470];
	_ =	sdelay $0x4  }
0x47: {  	v10 =	vadd.s32 v9, v10;
	_ =	sdelay $0x4  }
0x48: {  	[tilespmem:v10+s7+$0x0] =	vst.idx.add.f32.msk $0xffff, v2  }
0x49: {  	v10 =	vld [tilespmem:s14+$0x800];
	_ =	sdelay $0x4  }
0x4a: {  	v10 =	vadd.s32 v0, v10;
	_ =	sdelay $0x4  }
0x4b: {  	[tilespmem:v10+s7+$0x0] =	vst.idx.add.f32.msk $0xffff, v2  }
0x4c: {  	v10 =	vld [tilespmem:s14+$0x810];
	_ =	sdelay $0x4  }
0x4d: {  	v10 =	vadd.s32 v3, v10;
	_ =	sdelay $0x4  }
0x4e: {  	[tilespmem:v10+s7+$0x0] =	vst.idx.add.f32.msk $0xffff, v2  }
0x4f: {  	v10 =	vld [tilespmem:s14+$0x820];
	_ =	sdelay $0x4  }
0x50: {  	v10 =	vadd.s32 v4, v10;
	_ =	sdelay $0x4  }
0x51: {  	[tilespmem:v10+s7+$0x0] =	vst.idx.add.f32.msk $0xffff, v2  }
0x52: {  	v10 =	vld [tilespmem:s14+$0x830];
	_ =	sdelay $0x4  }
0x53: {  	v10 =	vadd.s32 v5, v10;
	_ =	sdelay $0x4  }
0x54: {  	[tilespmem:v10+s7+$0x0] =	vst.idx.add.f32.msk $0xffff, v2  }
0x55: {  	v10 =	vld [tilespmem:s14+$0x840];
	_ =	sdelay $0x4  }
0x56: {  	v10 =	vadd.s32 v6, v10;
	_ =	sdelay $0x4  }
0x57: {  	[tilespmem:v10+s7+$0x0] =	vst.idx.add.f32.msk $0xffff, v2  }
0x58: {  	v10 =	vld [tilespmem:s14+$0x850];
	_ =	sdelay $0x4  }
0x59: {  	v10 =	vadd.s32 v7, v10;
	_ =	sdelay $0x4  }
0x5a: {  	[tilespmem:v10+s7+$0x0] =	vst.idx.add.f32.msk $0xffff, v2  }
0x5b: {  	v10 =	vld [tilespmem:s14+$0x860];
	_ =	sdelay $0x4  }
0x5c: {  	v10 =	vadd.s32 v8, v10;
	_ =	sdelay $0x4  }
0x5d: {  	[tilespmem:v10+s7+$0x0] =	vst.idx.add.f32.msk $0xffff, v2  }
0x5e: {  	v10 =	vld [tilespmem:s14+$0x870];
	_ =	sdelay $0x4  }
0x5f: {  	v10 =	vadd.s32 v9, v10;
	_ =	sdelay $0x4  }
0x60: {  	[tilespmem:v10+s7+$0x0] =	vst.idx.add.f32.msk $0xffff, v2  }
0x61: {  	v10 =	vld [tilespmem:s14+$0xC00];
	_ =	sdelay $0x4  }
0x62: {  	v10 =	vadd.s32 v0, v10;
	_ =	sdelay $0x4  }
0x63: {  	[tilespmem:v10+s7+$0x0] =	vst.idx.add.f32.msk $0xffff, v2  }
0x64: {  	v10 =	vld [tilespmem:s14+$0xC10];
	_ =	sdelay $0x4  }
0x65: {  	v10 =	vadd.s32 v3, v10;
	_ =	sdelay $0x4  }
0x66: {  	[tilespmem:v10+s7+$0x0] =	vst.idx.add.f32.msk $0xffff, v2  }
0x67: {  	v10 =	vld [tilespmem:s14+$0xC20];
	_ =	sdelay $0x4  }
0x68: {  	v10 =	vadd.s32 v4, v10;
	_ =	sdelay $0x4  }
0x69: {  	[tilespmem:v10+s7+$0x0] =	vst.idx.add.f32.msk $0xffff, v2  }
0x6a: {  	v10 =	vld [tilespmem:s14+$0xC30];
	_ =	sdelay $0x4  }
0x6b: {  	v10 =	vadd.s32 v5, v10;
	_ =	sdelay $0x4  }
0x6c: {  	[tilespmem:v10+s7+$0x0] =	vst.idx.add.f32.msk $0xffff, v2  }
0x6d: {  	v10 =	vld [tilespmem:s14+$0xC40];
	_ =	sdelay $0x4  }
0x6e: {  	v10 =	vadd.s32 v6, v10;
	_ =	sdelay $0x4  }
0x6f: {  	[tilespmem:v10+s7+$0x0] =	vst.idx.add.f32.msk $0xffff, v2  }
0x70: {  	v10 =	vld [tilespmem:s14+$0xC50];
	_ =	sdelay $0x4  }
0x71: {  	v10 =	vadd.s32 v7, v10;
	_ =	sdelay $0x4  }
0x72: {  	[tilespmem:v10+s7+$0x0] =	vst.idx.add.f32.msk $0xffff, v2  }
0x73: {  	v10 =	vld [tilespmem:s14+$0xC60];
	_ =	sdelay $0x4  }
0x74: {  	v10 =	vadd.s32 v8, v10;
	_ =	sdelay $0x4  }
0x75: {  	[tilespmem:v10+s7+$0x0] =	vst.idx.add.f32.msk $0xffff, v2  }
0x76: {  	v10 =	vld [tilespmem:s14+$0xC70];
	_ =	sdelay $0x4  }
0x77: {  	p0 =	sne.s32 s13, $0x3E00;
	v10 =	vadd.s32 v9, v10  }
.Ltmp1:
0x78: {  	_ = 	snop;
	(pc) =	sbr.rel @p0 .LBB2_5-.Ltmp1, $2  }
0x79: {  	_ =	sdelay $0x2  }
0x7a: {  	s12 =	sadd.s32 $0x80, s12;
	s13 =	sadd.s32 $0x200, s13;
	[tilespmem:v10+s7+$0x0] =	vst.idx.add.f32.msk $0xffff, v2  }
0x7b: {  	s11 =	sadd.s32 $0x1, s11  }
0x7c: {  	p0 =	sne.s32 s11, $0x4  }
.Ltmp2:
0x7d: {  	_ = 	snop;
	(pc) =	sbr.rel @p0 .LBB2_4-.Ltmp2, $1  }
0x7e: {  	_ =	sdelay $0x3  }
0x7f: {  	s2 =	sadd.s32 $0x1, s2  }
0x80: {  	p0 =	sne.s32 s2, s5  }
.Ltmp3:
0x81: {  	_ = 	snop;
	(pc) =	sbr.rel @p0 .LBB2_1-.Ltmp3, $4  }
0x82: {  	[hbm4b:s4+s8] =	stream.strided.scatter [tilespmem:s7], [sflag:$0x1], $0x1000, s9, s8, $0x38;
	[tilespmem:$0x5000] =	vst v63  }
0x83: {  	_ =	swait.ge [sflag:s6], $0x1000  }
0x84: {  	[sflag:s6] =	ssyncset.done $0x0  }
0x85: {  	[sflag:s6] =	ssyncadd.s32 $0xFFFFF000  }
0x86: {  	_ =	sfence.sel $0x180000  }
0x87: {  	[bflag:$0x0] =	sbarrier.arrive $0xFFFF  }
0x88: {  	p0 =	sne.s32 s1, $0x0;
	_ =	strace $0x90000047  }
0x89: {  	s0 =	sadd.s32 @!p0 $0x100000, s0;
	[bflag:$0x2] =	sbarrier.arrive $0xFFFF  }
0x8a: {  	[sflag:s0] =	ssyncadd.tile.s32 @!p0 $0x1;
	_ =	shalt  }
.Lfunc_end2:
_tile_overlayer_lowered:
.L_overlay_start_2:
0x8b: {  	(tag) =	ssettag $0x2  }
0x8c: {  	s0 =	rddreg [dreg:$0x0];
	s2 =	stileid.u32  }
0x8d: {  	s1 =	rddreg [dreg:$0x1];
	p0 =	sne.s32 s2, $0x0  }
0x8e: {  	s3 =	rddreg [dreg:$0x2];
	[bflag:$0x3] =	sbarrier.arrive $0xFFFF;
	s2 =	simm.s32 @!p0 $0x1C01  }
0x8f: {  	[timem:s3], [sflag:s2] =	dma.local @!p0 [hbm:s0], s1  }
0x90: {  	s0 =	simm.s32 @!p0 $0x1  }
0x91: {  	_ =	swait.ge @!p0 [sflag:s0], s1  }
0x92: {  	s1 =	ssub.s32 @!p0 $0x0, s1;
	[sflag:s0] =	ssyncset.done @!p0 $0x0  }
0x93: {  	[sflag:s0] =	ssyncadd.s32 @!p0 s1  }
0x94: {  	[bflag:$0x3] =	sbarrier.arrive $0xFFFF  }
0x95: {  	_ =	shalt  }

</sc_bundles>
